<compile_context>
chip_gen: v7x
topology: tpu7x:2x2x1
jax: 0.10.2.dev20260603
libtpu: 0.0.44.dev20260713+nightly
codegen_flags: <defaults>
</compile_context>

<pallas_src>
import functools

import jax
import jax.numpy as jnp
from jax import lax
from jax.experimental import pallas as pl
from jax.experimental.pallas import tpu as pltpu
from jax.experimental.pallas import tpu_sc as plsc

NC = 2
NS = 16
NW = NC * NS


def _pre_body(h_ref, wa_ref, wb_ref, be1_ref, hs_ref, hd_ref):
    h = h_ref[...]
    hs_ref[...] = jnp.dot(h, wa_ref[...], preferred_element_type=jnp.float32)
    hd_ref[...] = (
        jnp.dot(h, wb_ref[...], preferred_element_type=jnp.float32) + be1_ref[...]
    )


def _precompute(h, W_e1a, W_e1b, b_e1, bn=256):
    n, d = h.shape
    grid = (pl.cdiv(n, bn),)
    return pl.pallas_call(
        _pre_body,
        grid=grid,
        in_specs=[
            pl.BlockSpec((bn, d), lambda i: (i, 0)),
            pl.BlockSpec((d, d), lambda i: (0, 0)),
            pl.BlockSpec((d, d), lambda i: (0, 0)),
            pl.BlockSpec((1, d), lambda i: (0, 0)),
        ],
        out_specs=[
            pl.BlockSpec((bn, d), lambda i: (i, 0)),
            pl.BlockSpec((bn, d), lambda i: (i, 0)),
        ],
        out_shape=[
            jax.ShapeDtypeStruct((n, d), jnp.float32),
            jax.ShapeDtypeStruct((n, d), jnp.float32),
        ],
    )(h, W_e1a, W_e1b, b_e1)


def _dist_rows(src, dst, sid, n):
    ra = 8 * ((n + 8 * NS - 1) // (8 * NS))
    last = n - (NS - 1) * ra
    assert last > 0 and last % 8 == 0 and ra % 8 == 0

    @pl.when(sid < NS - 1)
    def _():
        pltpu.sync_copy(src.at[pl.ds(sid * ra, ra)], dst.at[pl.ds(sid * ra, ra)])

    @pl.when(sid == NS - 1)
    def _():
        pltpu.sync_copy(
            src.at[pl.ds((NS - 1) * ra, last)], dst.at[pl.ds((NS - 1) * ra, last)]
        )


def _make_gather(N, E, D, C):
    G = C // 128
    NCHUNK = E // C
    MAXJ = pl.cdiv(NCHUNK, NW)
    mesh = plsc.VectorSubcoreMesh(core_axis_name="c", subcore_axis_name="s")

    @functools.partial(
        pl.kernel,
        mesh=mesh,
        out_type=[
            jax.ShapeDtypeStruct((E, D), jnp.float32),
            jax.ShapeDtypeStruct((E, 16), jnp.float32),
        ],
        scratch_types=[
            pltpu.VMEM((G, 128), jnp.int32),
            pltpu.VMEM((G, 128), jnp.int32),
            pltpu.VMEM((C, D), jnp.float32),
            pltpu.VMEM((C, D), jnp.float32),
            pltpu.VMEM((C, 16), jnp.float32),
            pltpu.VMEM((C, 16), jnp.float32),
            pltpu.VMEM_SHARED((N, 16), jnp.float32),
            pltpu.SemaphoreType.DMA,
        ],
        compiler_params=pltpu.CompilerParams(use_tc_tiling_on_sc=False),
    )
    def gather_kernel(
        hs_hbm, hd_hbm, crd_hbm, row2_hbm, col2_hbm,
        pre1_hbm, diff_hbm,
        idxr, idxc, bufA, bufB, bufR, bufC, crd_sh, sem,
    ):
        core = lax.axis_index("c")
        sid = lax.axis_index("s")
        w = sid * NC + core

        _dist_rows(crd_hbm, crd_sh, sid, N)
        plsc.subcore_barrier()

        def chunk_body(j, carry):
            ch = w + j * NW

            @pl.when(ch < NCHUNK)
            def _():
                pltpu.sync_copy(row2_hbm.at[pl.ds(ch * G, G)], idxr)
                pltpu.sync_copy(col2_hbm.at[pl.ds(ch * G, G)], idxc)
                for g in range(G):
                    pltpu.async_copy(
                        hs_hbm.at[idxr.at[g]], bufA.at[pl.ds(g * 128, 128)], sem
                    ).wait()
                    pltpu.async_copy(
                        hd_hbm.at[idxc.at[g]], bufB.at[pl.ds(g * 128, 128)], sem
                    ).wait()
                    pltpu.async_copy(
                        crd_sh.at[idxr.at[g]], bufR.at[pl.ds(g * 128, 128)], sem
                    ).wait()
                    pltpu.async_copy(
                        crd_sh.at[idxc.at[g]], bufC.at[pl.ds(g * 128, 128)], sem
                    ).wait()

                def edge_body(e, c2):
                    for k in range(D // 16):
                        s = pl.ds(k * 16, 16)
                        bufA[e, s] = bufA[e, s] + bufB[e, s]
                    bufR[e, :] = bufR[e, :] - bufC[e, :]
                    return c2

                lax.fori_loop(0, C, edge_body, 0)
                pltpu.sync_copy(bufA, pre1_hbm.at[pl.ds(ch * C, C)])
                pltpu.sync_copy(bufR, diff_hbm.at[pl.ds(ch * C, C)])

            return carry

        lax.fori_loop(0, MAXJ, chunk_body, 0)

    return gather_kernel


def _edge_body(
    pre1_ref, diff_ref, wr_ref, we2_ref, be2_ref, watt_ref, batt_ref,
    wc1_ref, bc1_ref, wc2_ref, ef_ref, trans_ref,
):
    d = diff_ref[...]
    radial = jnp.sum(d * d, axis=1, keepdims=True)
    m1 = jax.nn.silu(pre1_ref[...] + radial * wr_ref[...])
    m2 = jax.nn.silu(
        jnp.dot(m1, we2_ref[...], preferred_element_type=jnp.float32) + be2_ref[...]
    )
    att_logit = jnp.sum(m2 * watt_ref[...], axis=1, keepdims=True) + batt_ref[0, 0]
    ef = m2 * jax.nn.sigmoid(att_logit)
    cm = jax.nn.silu(
        jnp.dot(ef, wc1_ref[...], preferred_element_type=jnp.float32) + bc1_ref[...]
    )
    c = jnp.sum(cm * wc2_ref[...], axis=1, keepdims=True)
    ef_ref[...] = ef
    trans_ref[...] = d * c


def _edge_mlp(pre1, diff, wr, W_e2, b_e2, watt, batt, W_c1, b_c1, wc2, be=512):
    E, D = pre1.shape
    grid = (E // be,)
    return pl.pallas_call(
        _edge_body,
        grid=grid,
        in_specs=[
            pl.BlockSpec((be, D), lambda i: (i, 0)),
            pl.BlockSpec((be, 16), lambda i: (i, 0)),
            pl.BlockSpec((1, D), lambda i: (0, 0)),
            pl.BlockSpec((D, D), lambda i: (0, 0)),
            pl.BlockSpec((1, D), lambda i: (0, 0)),
            pl.BlockSpec((1, D), lambda i: (0, 0)),
            pl.BlockSpec((1, 1), lambda i: (0, 0)),
            pl.BlockSpec((D, D), lambda i: (0, 0)),
            pl.BlockSpec((1, D), lambda i: (0, 0)),
            pl.BlockSpec((1, D), lambda i: (0, 0)),
        ],
        out_specs=[
            pl.BlockSpec((be, D), lambda i: (i, 0)),
            pl.BlockSpec((be, 16), lambda i: (i, 0)),
        ],
        out_shape=[
            jax.ShapeDtypeStruct((E, D), jnp.float32),
            jax.ShapeDtypeStruct((E, 16), jnp.float32),
        ],
    )(pre1, diff, wr, W_e2, b_e2, watt, batt, W_c1, b_c1, wc2)


def _make_scatter(E, N, D, C):
    G = C // 128
    NCHUNK = E // C
    MAXJ = pl.cdiv(NCHUNK, NW)
    mesh = plsc.VectorSubcoreMesh(core_axis_name="c", subcore_axis_name="s")

    @functools.partial(
        pl.kernel,
        mesh=mesh,
        out_type=[
            jax.ShapeDtypeStruct((NC, N, D), jnp.float32),
            jax.ShapeDtypeStruct((NC, N, 16), jnp.float32),
        ],
        scratch_types=[
            pltpu.VMEM((G, 128), jnp.int32),
            pltpu.VMEM((C, D), jnp.float32),
            pltpu.VMEM((C, 16), jnp.float32),
            pltpu.VMEM_SHARED((N, D), jnp.float32),
            pltpu.VMEM_SHARED((N, 16), jnp.float32),
        ],
        compiler_params=pltpu.CompilerParams(use_tc_tiling_on_sc=False),
    )
    def scatter_kernel(
        ef_hbm, trans_hbm, row2_hbm, z128_hbm, z16_hbm,
        agg_hbm, cagg_hbm,
        idx, featbuf, transbuf, acc_sh, cacc_sh,
    ):
        core = lax.axis_index("c")
        sid = lax.axis_index("s")
        w = sid * NC + core

        _dist_rows(z128_hbm, acc_sh, sid, N)
        _dist_rows(z16_hbm, cacc_sh, sid, N)
        plsc.subcore_barrier()

        def chunk_body(j, carry):
            ch = w + j * NW

            @pl.when(ch < NCHUNK)
            def _():
                pltpu.sync_copy(row2_hbm.at[pl.ds(ch * G, G)], idx)
                pltpu.sync_copy(ef_hbm.at[pl.ds(ch * C, C)], featbuf)
                pltpu.sync_copy(trans_hbm.at[pl.ds(ch * C, C)], transbuf)
                for g in range(G):
                    pltpu.sync_copy(
                        featbuf.at[pl.ds(g * 128, 128)],
                        acc_sh.at[idx.at[g]],
                        add=True,
                    )
                    pltpu.sync_copy(
                        transbuf.at[pl.ds(g * 128, 128)],
                        cacc_sh.at[idx.at[g]],
                        add=True,
                    )

            return carry

        lax.fori_loop(0, MAXJ, chunk_body, 0)
        plsc.subcore_barrier()

        _dist_rows(acc_sh, agg_hbm.at[core], sid, N)
        _dist_rows(cacc_sh, cagg_hbm.at[core], sid, N)

    return scatter_kernel


def _node_body(
    h_ref, agg_ref, cagg_ref, crd_ref, wna_ref, wnb_ref, bn1_ref, wn2_ref, bn2_ref,
    hout_ref, cout_ref,
):
    h = h_ref[...]
    agg = agg_ref[0] + agg_ref[1]
    x = jax.nn.silu(
        jnp.dot(h, wna_ref[...], preferred_element_type=jnp.float32)
        + jnp.dot(agg, wnb_ref[...], preferred_element_type=jnp.float32)
        + bn1_ref[...]
    )
    hout_ref[...] = (
        jnp.dot(x, wn2_ref[...], preferred_element_type=jnp.float32) + bn2_ref[...] + h
    )
    cout_ref[...] = crd_ref[...] + cagg_ref[0] + cagg_ref[1]


def _node_mlp(h, agg2, cagg2, crd16, W_n1a, W_n1b, b_n1, W_n2, b_n2, bn=256):
    n, d = h.shape
    grid = (pl.cdiv(n, bn),)
    return pl.pallas_call(
        _node_body,
        grid=grid,
        in_specs=[
            pl.BlockSpec((bn, d), lambda i: (i, 0)),
            pl.BlockSpec((NC, bn, d), lambda i: (0, i, 0)),
            pl.BlockSpec((NC, bn, 16), lambda i: (0, i, 0)),
            pl.BlockSpec((bn, 16), lambda i: (i, 0)),
            pl.BlockSpec((d, d), lambda i: (0, 0)),
            pl.BlockSpec((d, d), lambda i: (0, 0)),
            pl.BlockSpec((1, d), lambda i: (0, 0)),
            pl.BlockSpec((d, d), lambda i: (0, 0)),
            pl.BlockSpec((1, d), lambda i: (0, 0)),
        ],
        out_specs=[
            pl.BlockSpec((bn, d), lambda i: (i, 0)),
            pl.BlockSpec((bn, 16), lambda i: (i, 0)),
        ],
        out_shape=[
            jax.ShapeDtypeStruct((n, d), jnp.float32),
            jax.ShapeDtypeStruct((n, 16), jnp.float32),
        ],
    )(h, agg2, cagg2, crd16, W_n1a, W_n1b, b_n1, W_n2, b_n2)


def kernel(
    h, edge_index, coord,
    W_e1, b_e1, W_e2, b_e2, W_att, b_att,
    W_n1, b_n1, W_n2, b_n2, W_c1, b_c1, W_c2,
):
    N, D = h.shape
    E = edge_index.shape[1]
    assert E % 512 == 0 and D % 16 == 0 and N % NS == 0

    row2 = edge_index[0].reshape(E // 128, 128)
    col2 = edge_index[1].reshape(E // 128, 128)
    crd16 = jnp.pad(coord, ((0, 0), (0, 16 - coord.shape[1])))

    hs, hd = _precompute(h, W_e1[:D], W_e1[D : 2 * D], b_e1.reshape(1, D))

    pre1, diff = _make_gather(N, E, D, C=256)(hs, hd, crd16, row2, col2)

    wr = W_e1[2 * D].reshape(1, D)
    ef, trans = _edge_mlp(
        pre1, diff, wr, W_e2, b_e2.reshape(1, -1),
        W_att.reshape(1, D), b_att.reshape(1, 1),
        W_c1, b_c1.reshape(1, -1), W_c2.reshape(1, D),
    )

    z128 = jnp.zeros((N, D), jnp.float32)
    z16 = jnp.zeros((N, 16), jnp.float32)
    agg2, cagg2 = _make_scatter(E, N, D, C=256)(ef, trans, row2, z128, z16)

    h_out, c16 = _node_mlp(
        h, agg2, cagg2, crd16,
        W_n1[:D], W_n1[D:], b_n1.reshape(1, -1), W_n2, b_n2.reshape(1, -1),
    )
    return (h_out, c16[:, : coord.shape[1]])

# --- scband reference (transcript-rebuilt; emitter-appended) ---
"""Pipeline reference for scband-egnnlayer-21990232555611 (READ-ONLY COPY).

The authoritative reference and input builder live on the scoring server;
editing this copy changes nothing except your own understanding.
"""

import jax, jax.numpy as jnp
import numpy as np

N = 10000
E = 320000
D = 128
H = 128

def _lin_init(key, fan_in, fan_out):
    k1, k2 = jax.random.split(key)
    bound = 1.0 / np.sqrt(fan_in)
    W = jax.random.uniform(k1, (fan_in, fan_out), minval=-bound, maxval=bound, dtype=jnp.float32)
    b = jax.random.uniform(k2, (fan_out,), minval=-bound, maxval=bound, dtype=jnp.float32)
    return W, b

def setup_inputs(seed: int = 0) -> dict:
    key = jax.random.key(seed)
    ks = jax.random.split(key, 12)
    h = jax.random.normal(ks[0], (N, D), dtype=jnp.float32)
    edge_index = jax.random.randint(ks[1], (2, E), 0, N, dtype=jnp.int32)
    coord = jax.random.normal(ks[2], (N, 3), dtype=jnp.float32)
    W_e1, b_e1 = _lin_init(ks[3], 2 * D + 1, H)
    W_e2, b_e2 = _lin_init(ks[4], H, H)
    W_att, b_att = _lin_init(ks[5], H, 1)
    W_n1, b_n1 = _lin_init(ks[6], D + H, H)
    W_n2, b_n2 = _lin_init(ks[7], H, D)
    W_c1, b_c1 = _lin_init(ks[8], H, H)
    # coord_mlp final layer: xavier_uniform gain=0.001, no bias
    bound = 0.001 * np.sqrt(6.0 / (H + 1))
    W_c2 = jax.random.uniform(ks[9], (H, 1), minval=-bound, maxval=bound, dtype=jnp.float32)
    return {"h": h, "edge_index": edge_index, "coord": coord,
            "W_e1": W_e1, "b_e1": b_e1, "W_e2": W_e2, "b_e2": b_e2,
            "W_att": W_att, "b_att": b_att, "W_n1": W_n1, "b_n1": b_n1,
            "W_n2": W_n2, "b_n2": b_n2, "W_c1": W_c1, "b_c1": b_c1, "W_c2": W_c2}

def reference(h, edge_index, coord, W_e1, b_e1, W_e2, b_e2, W_att, b_att, W_n1, b_n1, W_n2, b_n2, W_c1, b_c1, W_c2):
    row = edge_index[0]
    col = edge_index[1]
    # coord2radial
    coord_diff = coord[row] - coord[col]
    radial = jnp.sum(coord_diff ** 2, axis=1, keepdims=True)
    # edge_model
    src = jnp.take(h, row, axis=0)
    dst = jnp.take(h, col, axis=0)
    e_in = jnp.concatenate([src, dst, radial], axis=1)
    m = jax.nn.silu(e_in @ W_e1 + b_e1)
    m = jax.nn.silu(m @ W_e2 + b_e2)
    att = jax.nn.sigmoid(m @ W_att + b_att)
    edge_feat = m * att
    # node_model
    agg = jax.ops.segment_sum(edge_feat, row, num_segments=N)
    n_in = jnp.concatenate([h, agg], axis=1)
    out = jax.nn.silu(n_in @ W_n1 + b_n1)
    out = out @ W_n2 + b_n2
    h_out = out + h  # recurrent
    # coord_model
    c = jax.nn.silu(edge_feat @ W_c1 + b_c1)
    c = c @ W_c2
    trans = coord_diff * c
    c_agg = jax.ops.segment_sum(trans, row, num_segments=N)
    coord_out = coord + c_agg
    return (h_out, coord_out)

if __name__ == "__main__":
    import jax
    _d = setup_inputs()
    print(jax.jit(kernel)(*tuple(_d.values())))

</pallas_src>

<mosaic_0001>
#map = affine_map<(d0, d1) -> (0, 0)>
module attributes {stable_mosaic.version = 14 : i64} {
  func.func @gather_kernel(%arg0: i32, %arg1: i32, %arg2: memref<10000x128xf32, #tpu.memory_space<hbm>>, %arg3: memref<10000x128xf32, #tpu.memory_space<hbm>>, %arg4: memref<10000x16xf32, #tpu.memory_space<hbm>>, %arg5: memref<2500x128xi32, #tpu.memory_space<hbm>>, %arg6: memref<2500x128xi32, #tpu.memory_space<hbm>>, %arg7: memref<320000x128xf32, #tpu.memory_space<hbm>>, %arg8: memref<320000x16xf32, #tpu.memory_space<hbm>>, %arg9: memref<2x128xi32, #tpu.memory_space<vmem>>, %arg10: memref<2x128xi32, #tpu.memory_space<vmem>>, %arg11: memref<256x128xf32, #tpu.memory_space<vmem>>, %arg12: memref<256x128xf32, #tpu.memory_space<vmem>>, %arg13: memref<256x16xf32, #tpu.memory_space<vmem>>, %arg14: memref<256x16xf32, #tpu.memory_space<vmem>>, %arg15: memref<10000x16xf32, #tpu.memory_space<vmem_shared>>, %arg16: memref<!tpu.dma_semaphore, #tpu.memory_space<semaphore_mem>>) attributes {dimension_semantics = [#tpu.dimension_semantics<core_parallel>, #tpu.dimension_semantics<subcore_parallel>], iteration_bounds = array<i64: 2, 16>, scalar_prefetch = 0 : i64, scratch_operands = 8 : i64, tpu.core_type = #tpu.core_type<sc_vector_subcore>, window_params = [{transform_indices = #map}, {transform_indices = #map}, {transform_indices = #map}, {transform_indices = #map}, {transform_indices = #map}, {transform_indices = #map}, {transform_indices = #map}]} {
    %mul3A = arith.constant 2 : i32
    %mul3A_0 = arith.muli %arg1, %mul3A : i32
    %add3A = arith.addi %mul3A_0, %arg0 : i32
    %lt3A = arith.constant 15 : i32
    %lt3A_1 = arith.cmpi slt, %arg1, %lt3A : i32
    %convert_element_type3A = arith.extui %lt3A_1 : i1 to i32
    %cond3A = arith.constant 0 : i32
    %cond3A_2 = arith.cmpi ne, %convert_element_type3A, %cond3A : i32
    scf.if %cond3A_2 {
      %mul3A_12 = arith.constant 632 : i32
      %mul3A_13 = arith.muli %arg1, %mul3A_12 : i32
      %mul3A_14 = arith.constant 632 : i32
      %mul3A_15 = arith.muli %arg1, %mul3A_14 : i32
      "tpu.region"() ({
        %run_scoped3A = tpu.sem_alloc : memref<!tpu.dma_semaphore, #tpu.memory_space<semaphore_mem>>
        %dma_start3A = arith.constant 0 : i32
        %dma_start3A_16 = tpu.memref_slice %arg15[%mul3A_15, %dma_start3A] : memref<10000x16xf32, #tpu.memory_space<vmem_shared>> -> memref<632x16xf32, #tpu.memory_space<vmem_shared>>
        %dma_start3A_17 = arith.constant 0 : i32
        %dma_start3A_18 = tpu.memref_slice %arg4[%mul3A_13, %dma_start3A_17] : memref<10000x16xf32, #tpu.memory_space<hbm>> -> memref<632x16xf32, #tpu.memory_space<hbm>>
        tpu.enqueue_dma source(%dma_start3A_18 : memref<632x16xf32, #tpu.memory_space<hbm>>) target(%dma_start3A_16 : memref<632x16xf32, #tpu.memory_space<vmem_shared>>) target_semaphore(%run_scoped3A : memref<!tpu.dma_semaphore, #tpu.memory_space<semaphore_mem>>)
        %dma_wait3A = arith.constant 0 : i32
        %dma_wait3A_19 = tpu.memref_slice %arg15[%mul3A_15, %dma_wait3A] : memref<10000x16xf32, #tpu.memory_space<vmem_shared>> -> memref<632x16xf32, #tpu.memory_space<vmem_shared>>
        %dma_wait3A_20 = arith.constant 0 : i32
        %dma_wait3A_21 = tpu.memref_slice %arg4[%mul3A_13, %dma_wait3A_20] : memref<10000x16xf32, #tpu.memory_space<hbm>> -> memref<632x16xf32, #tpu.memory_space<hbm>>
        tpu.wait_dma2 semaphore(%run_scoped3A : memref<!tpu.dma_semaphore, #tpu.memory_space<semaphore_mem>>) src(%dma_wait3A_21 : memref<632x16xf32, #tpu.memory_space<hbm>>) dst(%dma_wait3A_19 : memref<632x16xf32, #tpu.memory_space<vmem_shared>>)
        tpu.yield
      }) : () -> ()
    } else {
    }
    %eq3A = arith.constant 15 : i32
    %eq3A_3 = arith.cmpi eq, %arg1, %eq3A : i32
    %convert_element_type3A_4 = arith.extui %eq3A_3 : i1 to i32
    %cond3A_5 = arith.constant 0 : i32
    %cond3A_6 = arith.cmpi ne, %convert_element_type3A_4, %cond3A_5 : i32
    scf.if %cond3A_6 {
      "tpu.region"() ({
        %run_scoped3A = tpu.sem_alloc : memref<!tpu.dma_semaphore, #tpu.memory_space<semaphore_mem>>
        %dma_start3A = arith.constant 9480 : i32
        %dma_start3A_12 = arith.constant 0 : i32
        %dma_start3A_13 = tpu.memref_slice %arg15[%dma_start3A, %dma_start3A_12] : memref<10000x16xf32, #tpu.memory_space<vmem_shared>> -> memref<520x16xf32, #tpu.memory_space<vmem_shared>>
        %dma_start3A_14 = arith.constant 9480 : i32
        %dma_start3A_15 = arith.constant 0 : i32
        %dma_start3A_16 = tpu.memref_slice %arg4[%dma_start3A_14, %dma_start3A_15] : memref<10000x16xf32, #tpu.memory_space<hbm>> -> memref<520x16xf32, #tpu.memory_space<hbm>>
        tpu.enqueue_dma source(%dma_start3A_16 : memref<520x16xf32, #tpu.memory_space<hbm>>) target(%dma_start3A_13 : memref<520x16xf32, #tpu.memory_space<vmem_shared>>) target_semaphore(%run_scoped3A : memref<!tpu.dma_semaphore, #tpu.memory_space<semaphore_mem>>)
        %dma_wait3A = arith.constant 9480 : i32
        %dma_wait3A_17 = arith.constant 0 : i32
        %dma_wait3A_18 = tpu.memref_slice %arg15[%dma_wait3A, %dma_wait3A_17] : memref<10000x16xf32, #tpu.memory_space<vmem_shared>> -> memref<520x16xf32, #tpu.memory_space<vmem_shared>>
        %dma_wait3A_19 = arith.constant 9480 : i32
        %dma_wait3A_20 = arith.constant 0 : i32
        %dma_wait3A_21 = tpu.memref_slice %arg4[%dma_wait3A_19, %dma_wait3A_20] : memref<10000x16xf32, #tpu.memory_space<hbm>> -> memref<520x16xf32, #tpu.memory_space<hbm>>
        tpu.wait_dma2 semaphore(%run_scoped3A : memref<!tpu.dma_semaphore, #tpu.memory_space<semaphore_mem>>) src(%dma_wait3A_21 : memref<520x16xf32, #tpu.memory_space<hbm>>) dst(%dma_wait3A_18 : memref<520x16xf32, #tpu.memory_space<vmem_shared>>)
        tpu.yield
      }) : () -> ()
    } else {
    }
    %barrier3A = arith.constant 0 : index
    tpu.barrier barrier_id(%barrier3A)
    %scan3A = arith.constant 0 : i32
    %scan3A_7 = arith.constant 0 : i32
    %scan3A_8 = arith.constant 40 : i32
    %scan3A_9 = arith.addi %scan3A_7, %scan3A_8 : i32
    %scan3A_10 = arith.constant 1 : i32
    scf.for %scan3A_12 = %scan3A_7 to %scan3A_9 step %scan3A_10  : i32 {
      %mul3A_13 = arith.constant 32 : i32
      %mul3A_14 = arith.muli %scan3A_12, %mul3A_13 : i32
      %add3A_15 = arith.addi %add3A, %mul3A_14 : i32
      %lt3A_16 = arith.constant 1250 : i32
      %lt3A_17 = arith.cmpi slt, %add3A_15, %lt3A_16 : i32
      %convert_element_type3A_18 = arith.extui %lt3A_17 : i1 to i32
      %cond3A_19 = arith.constant 0 : i32
      %cond3A_20 = arith.cmpi ne, %convert_element_type3A_18, %cond3A_19 : i32
      scf.if %cond3A_20 {
        %mul3A_21 = arith.constant 2 : i32
        %mul3A_22 = arith.muli %add3A_15, %mul3A_21 : i32
        "tpu.region"() ({
          %run_scoped3A = tpu.sem_alloc : memref<!tpu.dma_semaphore, #tpu.memory_space<semaphore_mem>>
          %dma_start3A_193 = arith.constant 0 : i32
          %dma_start3A_194 = tpu.memref_slice %arg5[%mul3A_22, %dma_start3A_193] : memref<2500x128xi32, #tpu.memory_space<hbm>> -> memref<2x128xi32, #tpu.memory_space<hbm>>
          %dma_start3A_195 = arith.constant 0 : i32
          %dma_start3A_196 = tpu.memref_slice %arg5[%mul3A_22, %dma_start3A_195] : memref<2500x128xi32, #tpu.memory_space<hbm>> -> memref<2x128xi32, #tpu.memory_space<hbm>>
          tpu.enqueue_dma source(%dma_start3A_196 : memref<2x128xi32, #tpu.memory_space<hbm>>) target(%arg9 : memref<2x128xi32, #tpu.memory_space<vmem>>) target_semaphore(%run_scoped3A : memref<!tpu.dma_semaphore, #tpu.memory_space<semaphore_mem>>)
          %dma_wait3A_197 = arith.constant 0 : i32
          %dma_wait3A_198 = tpu.memref_slice %arg5[%mul3A_22, %dma_wait3A_197] : memref<2500x128xi32, #tpu.memory_space<hbm>> -> memref<2x128xi32, #tpu.memory_space<hbm>>
          %dma_wait3A_199 = arith.constant 0 : i32
          %dma_wait3A_200 = tpu.memref_slice %arg5[%mul3A_22, %dma_wait3A_199] : memref<2500x128xi32, #tpu.memory_space<hbm>> -> memref<2x128xi32, #tpu.memory_space<hbm>>
          tpu.wait_dma2 semaphore(%run_scoped3A : memref<!tpu.dma_semaphore, #tpu.memory_space<semaphore_mem>>) src(%dma_wait3A_200 : memref<2x128xi32, #tpu.memory_space<hbm>>) dst(%arg9 : memref<2x128xi32, #tpu.memory_space<vmem>>)
          tpu.yield
        }) : () -> ()
        %mul3A_23 = arith.constant 2 : i32
        %mul3A_24 = arith.muli %add3A_15, %mul3A_23 : i32
        "tpu.region"() ({
          %run_scoped3A = tpu.sem_alloc : memref<!tpu.dma_semaphore, #tpu.memory_space<semaphore_mem>>
          %dma_start3A_193 = arith.constant 0 : i32
          %dma_start3A_194 = tpu.memref_slice %arg6[%mul3A_24, %dma_start3A_193] : memref<2500x128xi32, #tpu.memory_space<hbm>> -> memref<2x128xi32, #tpu.memory_space<hbm>>
          %dma_start3A_195 = arith.constant 0 : i32
          %dma_start3A_196 = tpu.memref_slice %arg6[%mul3A_24, %dma_start3A_195] : memref<2500x128xi32, #tpu.memory_space<hbm>> -> memref<2x128xi32, #tpu.memory_space<hbm>>
          tpu.enqueue_dma source(%dma_start3A_196 : memref<2x128xi32, #tpu.memory_space<hbm>>) target(%arg10 : memref<2x128xi32, #tpu.memory_space<vmem>>) target_semaphore(%run_scoped3A : memref<!tpu.dma_semaphore, #tpu.memory_space<semaphore_mem>>)
          %dma_wait3A_197 = arith.constant 0 : i32
          %dma_wait3A_198 = tpu.memref_slice %arg6[%mul3A_24, %dma_wait3A_197] : memref<2500x128xi32, #tpu.memory_space<hbm>> -> memref<2x128xi32, #tpu.memory_space<hbm>>
          %dma_wait3A_199 = arith.constant 0 : i32
          %dma_wait3A_200 = tpu.memref_slice %arg6[%mul3A_24, %dma_wait3A_199] : memref<2500x128xi32, #tpu.memory_space<hbm>> -> memref<2x128xi32, #tpu.memory_space<hbm>>
          tpu.wait_dma2 semaphore(%run_scoped3A : memref<!tpu.dma_semaphore, #tpu.memory_space<semaphore_mem>>) src(%dma_wait3A_200 : memref<2x128xi32, #tpu.memory_space<hbm>>) dst(%arg10 : memref<2x128xi32, #tpu.memory_space<vmem>>)
          tpu.yield
        }) : () -> ()
        %dma_start3A = arith.constant 0 : i32
        %dma_start3A_25 = arith.constant 0 : i32
        %dma_start3A_26 = arith.constant 0 : i32
        %dma_start3A_27 = tpu.memref_slice %arg11[%dma_start3A_25, %dma_start3A_26] : memref<256x128xf32, #tpu.memory_space<vmem>> -> memref<128x128xf32, #tpu.memory_space<vmem>>
        %dma_start3A_28 = arith.constant 0 : i32
        %dma_start3A_29 = tpu.memref_slice %arg9[%dma_start3A, %dma_start3A_28] : memref<2x128xi32, #tpu.memory_space<vmem>> -> memref<1x128xi32, #tpu.memory_space<vmem>>
        %dma_start3A_30 = tpu.memref_squeeze %dma_start3A_29 : memref<1x128xi32, #tpu.memory_space<vmem>> -> memref<128xi32, #tpu.memory_space<vmem>>
        %dma_start3A_31 = arith.constant 0 : i32
        %dma_start3A_32 = arith.constant 0 : i32
        %dma_start3A_33 = tpu.memref_slice %arg2[%dma_start3A_31, %dma_start3A_32] : memref<10000x128xf32, #tpu.memory_space<hbm>> -> memref<10000x128xf32, #tpu.memory_space<hbm>>
        tpu.enqueue_indirect_dma source(%dma_start3A_33 : memref<10000x128xf32, #tpu.memory_space<hbm>>) target(%dma_start3A_27 : memref<128x128xf32, #tpu.memory_space<vmem>>) offsets(%dma_start3A_30 : memref<128xi32, #tpu.memory_space<vmem>>) semaphore(%arg16 : memref<!tpu.dma_semaphore, #tpu.memory_space<semaphore_mem>>)
        %dma_wait3A = arith.constant 0 : i32
        %dma_wait3A_34 = arith.constant 0 : i32
        %dma_wait3A_35 = arith.constant 0 : i32
        %dma_wait3A_36 = tpu.memref_slice %arg11[%dma_wait3A_34, %dma_wait3A_35] : memref<256x128xf32, #tpu.memory_space<vmem>> -> memref<128x128xf32, #tpu.memory_space<vmem>>
        %dma_wait3A_37 = arith.constant 0 : i32
        %dma_wait3A_38 = tpu.memref_slice %arg9[%dma_wait3A, %dma_wait3A_37] : memref<2x128xi32, #tpu.memory_space<vmem>> -> memref<1x128xi32, #tpu.memory_space<vmem>>
        %dma_wait3A_39 = tpu.memref_squeeze %dma_wait3A_38 : memref<1x128xi32, #tpu.memory_space<vmem>> -> memref<128xi32, #tpu.memory_space<vmem>>
        %dma_wait3A_40 = arith.constant 0 : i32
        %dma_wait3A_41 = arith.constant 0 : i32
        %dma_wait3A_42 = tpu.memref_slice %arg2[%dma_wait3A_40, %dma_wait3A_41] : memref<10000x128xf32, #tpu.memory_space<hbm>> -> memref<10000x128xf32, #tpu.memory_space<hbm>>
        tpu.wait_indirect_dma semaphore(%arg16 : memref<!tpu.dma_semaphore, #tpu.memory_space<semaphore_mem>>) src(%dma_wait3A_42 : memref<10000x128xf32, #tpu.memory_space<hbm>>) dst(%dma_wait3A_36 : memref<128x128xf32, #tpu.memory_space<vmem>>)
        %dma_start3A_43 = arith.constant 0 : i32
        %dma_start3A_44 = arith.constant 0 : i32
        %dma_start3A_45 = arith.constant 0 : i32
        %dma_start3A_46 = tpu.memref_slice %arg12[%dma_start3A_44, %dma_start3A_45] : memref<256x128xf32, #tpu.memory_space<vmem>> -> memref<128x128xf32, #tpu.memory_space<vmem>>
        %dma_start3A_47 = arith.constant 0 : i32
        %dma_start3A_48 = tpu.memref_slice %arg10[%dma_start3A_43, %dma_start3A_47] : memref<2x128xi32, #tpu.memory_space<vmem>> -> memref<1x128xi32, #tpu.memory_space<vmem>>
        %dma_start3A_49 = tpu.memref_squeeze %dma_start3A_48 : memref<1x128xi32, #tpu.memory_space<vmem>> -> memref<128xi32, #tpu.memory_space<vmem>>
        %dma_start3A_50 = arith.constant 0 : i32
        %dma_start3A_51 = arith.constant 0 : i32
        %dma_start3A_52 = tpu.memref_slice %arg3[%dma_start3A_50, %dma_start3A_51] : memref<10000x128xf32, #tpu.memory_space<hbm>> -> memref<10000x128xf32, #tpu.memory_space<hbm>>
        tpu.enqueue_indirect_dma source(%dma_start3A_52 : memref<10000x128xf32, #tpu.memory_space<hbm>>) target(%dma_start3A_46 : memref<128x128xf32, #tpu.memory_space<vmem>>) offsets(%dma_start3A_49 : memref<128xi32, #tpu.memory_space<vmem>>) semaphore(%arg16 : memref<!tpu.dma_semaphore, #tpu.memory_space<semaphore_mem>>)
        %dma_wait3A_53 = arith.constant 0 : i32
        %dma_wait3A_54 = arith.constant 0 : i32
        %dma_wait3A_55 = arith.constant 0 : i32
        %dma_wait3A_56 = tpu.memref_slice %arg12[%dma_wait3A_54, %dma_wait3A_55] : memref<256x128xf32, #tpu.memory_space<vmem>> -> memref<128x128xf32, #tpu.memory_space<vmem>>
        %dma_wait3A_57 = arith.constant 0 : i32
        %dma_wait3A_58 = tpu.memref_slice %arg10[%dma_wait3A_53, %dma_wait3A_57] : memref<2x128xi32, #tpu.memory_space<vmem>> -> memref<1x128xi32, #tpu.memory_space<vmem>>
        %dma_wait3A_59 = tpu.memref_squeeze %dma_wait3A_58 : memref<1x128xi32, #tpu.memory_space<vmem>> -> memref<128xi32, #tpu.memory_space<vmem>>
        %dma_wait3A_60 = arith.constant 0 : i32
        %dma_wait3A_61 = arith.constant 0 : i32
        %dma_wait3A_62 = tpu.memref_slice %arg3[%dma_wait3A_60, %dma_wait3A_61] : memref<10000x128xf32, #tpu.memory_space<hbm>> -> memref<10000x128xf32, #tpu.memory_space<hbm>>
        tpu.wait_indirect_dma semaphore(%arg16 : memref<!tpu.dma_semaphore, #tpu.memory_space<semaphore_mem>>) src(%dma_wait3A_62 : memref<10000x128xf32, #tpu.memory_space<hbm>>) dst(%dma_wait3A_56 : memref<128x128xf32, #tpu.memory_space<vmem>>)
        %dma_start3A_63 = arith.constant 0 : i32
        %dma_start3A_64 = arith.constant 0 : i32
        %dma_start3A_65 = arith.constant 0 : i32
        %dma_start3A_66 = tpu.memref_slice %arg13[%dma_start3A_64, %dma_start3A_65] : memref<256x16xf32, #tpu.memory_space<vmem>> -> memref<128x16xf32, #tpu.memory_space<vmem>>
        %dma_start3A_67 = arith.constant 0 : i32
        %dma_start3A_68 = tpu.memref_slice %arg9[%dma_start3A_63, %dma_start3A_67] : memref<2x128xi32, #tpu.memory_space<vmem>> -> memref<1x128xi32, #tpu.memory_space<vmem>>
        %dma_start3A_69 = tpu.memref_squeeze %dma_start3A_68 : memref<1x128xi32, #tpu.memory_space<vmem>> -> memref<128xi32, #tpu.memory_space<vmem>>
        %dma_start3A_70 = arith.constant 0 : i32
        %dma_start3A_71 = arith.constant 0 : i32
        %dma_start3A_72 = tpu.memref_slice %arg15[%dma_start3A_70, %dma_start3A_71] : memref<10000x16xf32, #tpu.memory_space<vmem_shared>> -> memref<10000x16xf32, #tpu.memory_space<vmem_shared>>
        tpu.enqueue_indirect_dma source(%dma_start3A_72 : memref<10000x16xf32, #tpu.memory_space<vmem_shared>>) target(%dma_start3A_66 : memref<128x16xf32, #tpu.memory_space<vmem>>) offsets(%dma_start3A_69 : memref<128xi32, #tpu.memory_space<vmem>>) semaphore(%arg16 : memref<!tpu.dma_semaphore, #tpu.memory_space<semaphore_mem>>)
        %dma_wait3A_73 = arith.constant 0 : i32
        %dma_wait3A_74 = arith.constant 0 : i32
        %dma_wait3A_75 = arith.constant 0 : i32
        %dma_wait3A_76 = tpu.memref_slice %arg13[%dma_wait3A_74, %dma_wait3A_75] : memref<256x16xf32, #tpu.memory_space<vmem>> -> memref<128x16xf32, #tpu.memory_space<vmem>>
        %dma_wait3A_77 = arith.constant 0 : i32
        %dma_wait3A_78 = tpu.memref_slice %arg9[%dma_wait3A_73, %dma_wait3A_77] : memref<2x128xi32, #tpu.memory_space<vmem>> -> memref<1x128xi32, #tpu.memory_space<vmem>>
        %dma_wait3A_79 = tpu.memref_squeeze %dma_wait3A_78 : memref<1x128xi32, #tpu.memory_space<vmem>> -> memref<128xi32, #tpu.memory_space<vmem>>
        %dma_wait3A_80 = arith.constant 0 : i32
        %dma_wait3A_81 = arith.constant 0 : i32
        %dma_wait3A_82 = tpu.memref_slice %arg15[%dma_wait3A_80, %dma_wait3A_81] : memref<10000x16xf32, #tpu.memory_space<vmem_shared>> -> memref<10000x16xf32, #tpu.memory_space<vmem_shared>>
        tpu.wait_indirect_dma semaphore(%arg16 : memref<!tpu.dma_semaphore, #tpu.memory_space<semaphore_mem>>) src(%dma_wait3A_82 : memref<10000x16xf32, #tpu.memory_space<vmem_shared>>) dst(%dma_wait3A_76 : memref<128x16xf32, #tpu.memory_space<vmem>>)
        %dma_start3A_83 = arith.constant 0 : i32
        %dma_start3A_84 = arith.constant 0 : i32
        %dma_start3A_85 = arith.constant 0 : i32
        %dma_start3A_86 = tpu.memref_slice %arg14[%dma_start3A_84, %dma_start3A_85] : memref<256x16xf32, #tpu.memory_space<vmem>> -> memref<128x16xf32, #tpu.memory_space<vmem>>
        %dma_start3A_87 = arith.constant 0 : i32
        %dma_start3A_88 = tpu.memref_slice %arg10[%dma_start3A_83, %dma_start3A_87] : memref<2x128xi32, #tpu.memory_space<vmem>> -> memref<1x128xi32, #tpu.memory_space<vmem>>
        %dma_start3A_89 = tpu.memref_squeeze %dma_start3A_88 : memref<1x128xi32, #tpu.memory_space<vmem>> -> memref<128xi32, #tpu.memory_space<vmem>>
        %dma_start3A_90 = arith.constant 0 : i32
        %dma_start3A_91 = arith.constant 0 : i32
        %dma_start3A_92 = tpu.memref_slice %arg15[%dma_start3A_90, %dma_start3A_91] : memref<10000x16xf32, #tpu.memory_space<vmem_shared>> -> memref<10000x16xf32, #tpu.memory_space<vmem_shared>>
        tpu.enqueue_indirect_dma source(%dma_start3A_92 : memref<10000x16xf32, #tpu.memory_space<vmem_shared>>) target(%dma_start3A_86 : memref<128x16xf32, #tpu.memory_space<vmem>>) offsets(%dma_start3A_89 : memref<128xi32, #tpu.memory_space<vmem>>) semaphore(%arg16 : memref<!tpu.dma_semaphore, #tpu.memory_space<semaphore_mem>>)
        %dma_wait3A_93 = arith.constant 0 : i32
        %dma_wait3A_94 = arith.constant 0 : i32
        %dma_wait3A_95 = arith.constant 0 : i32
        %dma_wait3A_96 = tpu.memref_slice %arg14[%dma_wait3A_94, %dma_wait3A_95] : memref<256x16xf32, #tpu.memory_space<vmem>> -> memref<128x16xf32, #tpu.memory_space<vmem>>
        %dma_wait3A_97 = arith.constant 0 : i32
        %dma_wait3A_98 = tpu.memref_slice %arg10[%dma_wait3A_93, %dma_wait3A_97] : memref<2x128xi32, #tpu.memory_space<vmem>> -> memref<1x128xi32, #tpu.memory_space<vmem>>
        %dma_wait3A_99 = tpu.memref_squeeze %dma_wait3A_98 : memref<1x128xi32, #tpu.memory_space<vmem>> -> memref<128xi32, #tpu.memory_space<vmem>>
        %dma_wait3A_100 = arith.constant 0 : i32
        %dma_wait3A_101 = arith.constant 0 : i32
        %dma_wait3A_102 = tpu.memref_slice %arg15[%dma_wait3A_100, %dma_wait3A_101] : memref<10000x16xf32, #tpu.memory_space<vmem_shared>> -> memref<10000x16xf32, #tpu.memory_space<vmem_shared>>
        tpu.wait_indirect_dma semaphore(%arg16 : memref<!tpu.dma_semaphore, #tpu.memory_space<semaphore_mem>>) src(%dma_wait3A_102 : memref<10000x16xf32, #tpu.memory_space<vmem_shared>>) dst(%dma_wait3A_96 : memref<128x16xf32, #tpu.memory_space<vmem>>)
        %dma_start3A_103 = arith.constant 1 : i32
        %dma_start3A_104 = arith.constant 128 : i32
        %dma_start3A_105 = arith.constant 0 : i32
        %dma_start3A_106 = tpu.memref_slice %arg11[%dma_start3A_104, %dma_start3A_105] : memref<256x128xf32, #tpu.memory_space<vmem>> -> memref<128x128xf32, #tpu.memory_space<vmem>>
        %dma_start3A_107 = arith.constant 0 : i32
        %dma_start3A_108 = tpu.memref_slice %arg9[%dma_start3A_103, %dma_start3A_107] : memref<2x128xi32, #tpu.memory_space<vmem>> -> memref<1x128xi32, #tpu.memory_space<vmem>>
        %dma_start3A_109 = tpu.memref_squeeze %dma_start3A_108 : memref<1x128xi32, #tpu.memory_space<vmem>> -> memref<128xi32, #tpu.memory_space<vmem>>
        %dma_start3A_110 = arith.constant 0 : i32
        %dma_start3A_111 = arith.constant 0 : i32
        %dma_start3A_112 = tpu.memref_slice %arg2[%dma_start3A_110, %dma_start3A_111] : memref<10000x128xf32, #tpu.memory_space<hbm>> -> memref<10000x128xf32, #tpu.memory_space<hbm>>
        tpu.enqueue_indirect_dma source(%dma_start3A_112 : memref<10000x128xf32, #tpu.memory_space<hbm>>) target(%dma_start3A_106 : memref<128x128xf32, #tpu.memory_space<vmem>>) offsets(%dma_start3A_109 : memref<128xi32, #tpu.memory_space<vmem>>) semaphore(%arg16 : memref<!tpu.dma_semaphore, #tpu.memory_space<semaphore_mem>>)
        %dma_wait3A_113 = arith.constant 1 : i32
        %dma_wait3A_114 = arith.constant 128 : i32
        %dma_wait3A_115 = arith.constant 0 : i32
        %dma_wait3A_116 = tpu.memref_slice %arg11[%dma_wait3A_114, %dma_wait3A_115] : memref<256x128xf32, #tpu.memory_space<vmem>> -> memref<128x128xf32, #tpu.memory_space<vmem>>
        %dma_wait3A_117 = arith.constant 0 : i32
        %dma_wait3A_118 = tpu.memref_slice %arg9[%dma_wait3A_113, %dma_wait3A_117] : memref<2x128xi32, #tpu.memory_space<vmem>> -> memref<1x128xi32, #tpu.memory_space<vmem>>
        %dma_wait3A_119 = tpu.memref_squeeze %dma_wait3A_118 : memref<1x128xi32, #tpu.memory_space<vmem>> -> memref<128xi32, #tpu.memory_space<vmem>>
        %dma_wait3A_120 = arith.constant 0 : i32
        %dma_wait3A_121 = arith.constant 0 : i32
        %dma_wait3A_122 = tpu.memref_slice %arg2[%dma_wait3A_120, %dma_wait3A_121] : memref<10000x128xf32, #tpu.memory_space<hbm>> -> memref<10000x128xf32, #tpu.memory_space<hbm>>
        tpu.wait_indirect_dma semaphore(%arg16 : memref<!tpu.dma_semaphore, #tpu.memory_space<semaphore_mem>>) src(%dma_wait3A_122 : memref<10000x128xf32, #tpu.memory_space<hbm>>) dst(%dma_wait3A_116 : memref<128x128xf32, #tpu.memory_space<vmem>>)
        %dma_start3A_123 = arith.constant 1 : i32
        %dma_start3A_124 = arith.constant 128 : i32
        %dma_start3A_125 = arith.constant 0 : i32
        %dma_start3A_126 = tpu.memref_slice %arg12[%dma_start3A_124, %dma_start3A_125] : memref<256x128xf32, #tpu.memory_space<vmem>> -> memref<128x128xf32, #tpu.memory_space<vmem>>
        %dma_start3A_127 = arith.constant 0 : i32
        %dma_start3A_128 = tpu.memref_slice %arg10[%dma_start3A_123, %dma_start3A_127] : memref<2x128xi32, #tpu.memory_space<vmem>> -> memref<1x128xi32, #tpu.memory_space<vmem>>
        %dma_start3A_129 = tpu.memref_squeeze %dma_start3A_128 : memref<1x128xi32, #tpu.memory_space<vmem>> -> memref<128xi32, #tpu.memory_space<vmem>>
        %dma_start3A_130 = arith.constant 0 : i32
        %dma_start3A_131 = arith.constant 0 : i32
        %dma_start3A_132 = tpu.memref_slice %arg3[%dma_start3A_130, %dma_start3A_131] : memref<10000x128xf32, #tpu.memory_space<hbm>> -> memref<10000x128xf32, #tpu.memory_space<hbm>>
        tpu.enqueue_indirect_dma source(%dma_start3A_132 : memref<10000x128xf32, #tpu.memory_space<hbm>>) target(%dma_start3A_126 : memref<128x128xf32, #tpu.memory_space<vmem>>) offsets(%dma_start3A_129 : memref<128xi32, #tpu.memory_space<vmem>>) semaphore(%arg16 : memref<!tpu.dma_semaphore, #tpu.memory_space<semaphore_mem>>)
        %dma_wait3A_133 = arith.constant 1 : i32
        %dma_wait3A_134 = arith.constant 128 : i32
        %dma_wait3A_135 = arith.constant 0 : i32
        %dma_wait3A_136 = tpu.memref_slice %arg12[%dma_wait3A_134, %dma_wait3A_135] : memref<256x128xf32, #tpu.memory_space<vmem>> -> memref<128x128xf32, #tpu.memory_space<vmem>>
        %dma_wait3A_137 = arith.constant 0 : i32
        %dma_wait3A_138 = tpu.memref_slice %arg10[%dma_wait3A_133, %dma_wait3A_137] : memref<2x128xi32, #tpu.memory_space<vmem>> -> memref<1x128xi32, #tpu.memory_space<vmem>>
        %dma_wait3A_139 = tpu.memref_squeeze %dma_wait3A_138 : memref<1x128xi32, #tpu.memory_space<vmem>> -> memref<128xi32, #tpu.memory_space<vmem>>
        %dma_wait3A_140 = arith.constant 0 : i32
        %dma_wait3A_141 = arith.constant 0 : i32
        %dma_wait3A_142 = tpu.memref_slice %arg3[%dma_wait3A_140, %dma_wait3A_141] : memref<10000x128xf32, #tpu.memory_space<hbm>> -> memref<10000x128xf32, #tpu.memory_space<hbm>>
        tpu.wait_indirect_dma semaphore(%arg16 : memref<!tpu.dma_semaphore, #tpu.memory_space<semaphore_mem>>) src(%dma_wait3A_142 : memref<10000x128xf32, #tpu.memory_space<hbm>>) dst(%dma_wait3A_136 : memref<128x128xf32, #tpu.memory_space<vmem>>)
        %dma_start3A_143 = arith.constant 1 : i32
        %dma_start3A_144 = arith.constant 128 : i32
        %dma_start3A_145 = arith.constant 0 : i32
        %dma_start3A_146 = tpu.memref_slice %arg13[%dma_start3A_144, %dma_start3A_145] : memref<256x16xf32, #tpu.memory_space<vmem>> -> memref<128x16xf32, #tpu.memory_space<vmem>>
        %dma_start3A_147 = arith.constant 0 : i32
        %dma_start3A_148 = tpu.memref_slice %arg9[%dma_start3A_143, %dma_start3A_147] : memref<2x128xi32, #tpu.memory_space<vmem>> -> memref<1x128xi32, #tpu.memory_space<vmem>>
        %dma_start3A_149 = tpu.memref_squeeze %dma_start3A_148 : memref<1x128xi32, #tpu.memory_space<vmem>> -> memref<128xi32, #tpu.memory_space<vmem>>
        %dma_start3A_150 = arith.constant 0 : i32
        %dma_start3A_151 = arith.constant 0 : i32
        %dma_start3A_152 = tpu.memref_slice %arg15[%dma_start3A_150, %dma_start3A_151] : memref<10000x16xf32, #tpu.memory_space<vmem_shared>> -> memref<10000x16xf32, #tpu.memory_space<vmem_shared>>
        tpu.enqueue_indirect_dma source(%dma_start3A_152 : memref<10000x16xf32, #tpu.memory_space<vmem_shared>>) target(%dma_start3A_146 : memref<128x16xf32, #tpu.memory_space<vmem>>) offsets(%dma_start3A_149 : memref<128xi32, #tpu.memory_space<vmem>>) semaphore(%arg16 : memref<!tpu.dma_semaphore, #tpu.memory_space<semaphore_mem>>)
        %dma_wait3A_153 = arith.constant 1 : i32
        %dma_wait3A_154 = arith.constant 128 : i32
        %dma_wait3A_155 = arith.constant 0 : i32
        %dma_wait3A_156 = tpu.memref_slice %arg13[%dma_wait3A_154, %dma_wait3A_155] : memref<256x16xf32, #tpu.memory_space<vmem>> -> memref<128x16xf32, #tpu.memory_space<vmem>>
        %dma_wait3A_157 = arith.constant 0 : i32
        %dma_wait3A_158 = tpu.memref_slice %arg9[%dma_wait3A_153, %dma_wait3A_157] : memref<2x128xi32, #tpu.memory_space<vmem>> -> memref<1x128xi32, #tpu.memory_space<vmem>>
        %dma_wait3A_159 = tpu.memref_squeeze %dma_wait3A_158 : memref<1x128xi32, #tpu.memory_space<vmem>> -> memref<128xi32, #tpu.memory_space<vmem>>
        %dma_wait3A_160 = arith.constant 0 : i32
        %dma_wait3A_161 = arith.constant 0 : i32
        %dma_wait3A_162 = tpu.memref_slice %arg15[%dma_wait3A_160, %dma_wait3A_161] : memref<10000x16xf32, #tpu.memory_space<vmem_shared>> -> memref<10000x16xf32, #tpu.memory_space<vmem_shared>>
        tpu.wait_indirect_dma semaphore(%arg16 : memref<!tpu.dma_semaphore, #tpu.memory_space<semaphore_mem>>) src(%dma_wait3A_162 : memref<10000x16xf32, #tpu.memory_space<vmem_shared>>) dst(%dma_wait3A_156 : memref<128x16xf32, #tpu.memory_space<vmem>>)
        %dma_start3A_163 = arith.constant 1 : i32
        %dma_start3A_164 = arith.constant 128 : i32
        %dma_start3A_165 = arith.constant 0 : i32
        %dma_start3A_166 = tpu.memref_slice %arg14[%dma_start3A_164, %dma_start3A_165] : memref<256x16xf32, #tpu.memory_space<vmem>> -> memref<128x16xf32, #tpu.memory_space<vmem>>
        %dma_start3A_167 = arith.constant 0 : i32
        %dma_start3A_168 = tpu.memref_slice %arg10[%dma_start3A_163, %dma_start3A_167] : memref<2x128xi32, #tpu.memory_space<vmem>> -> memref<1x128xi32, #tpu.memory_space<vmem>>
        %dma_start3A_169 = tpu.memref_squeeze %dma_start3A_168 : memref<1x128xi32, #tpu.memory_space<vmem>> -> memref<128xi32, #tpu.memory_space<vmem>>
        %dma_start3A_170 = arith.constant 0 : i32
        %dma_start3A_171 = arith.constant 0 : i32
        %dma_start3A_172 = tpu.memref_slice %arg15[%dma_start3A_170, %dma_start3A_171] : memref<10000x16xf32, #tpu.memory_space<vmem_shared>> -> memref<10000x16xf32, #tpu.memory_space<vmem_shared>>
        tpu.enqueue_indirect_dma source(%dma_start3A_172 : memref<10000x16xf32, #tpu.memory_space<vmem_shared>>) target(%dma_start3A_166 : memref<128x16xf32, #tpu.memory_space<vmem>>) offsets(%dma_start3A_169 : memref<128xi32, #tpu.memory_space<vmem>>) semaphore(%arg16 : memref<!tpu.dma_semaphore, #tpu.memory_space<semaphore_mem>>)
        %dma_wait3A_173 = arith.constant 1 : i32
        %dma_wait3A_174 = arith.constant 128 : i32
        %dma_wait3A_175 = arith.constant 0 : i32
        %dma_wait3A_176 = tpu.memref_slice %arg14[%dma_wait3A_174, %dma_wait3A_175] : memref<256x16xf32, #tpu.memory_space<vmem>> -> memref<128x16xf32, #tpu.memory_space<vmem>>
        %dma_wait3A_177 = arith.constant 0 : i32
        %dma_wait3A_178 = tpu.memref_slice %arg10[%dma_wait3A_173, %dma_wait3A_177] : memref<2x128xi32, #tpu.memory_space<vmem>> -> memref<1x128xi32, #tpu.memory_space<vmem>>
        %dma_wait3A_179 = tpu.memref_squeeze %dma_wait3A_178 : memref<1x128xi32, #tpu.memory_space<vmem>> -> memref<128xi32, #tpu.memory_space<vmem>>
        %dma_wait3A_180 = arith.constant 0 : i32
        %dma_wait3A_181 = arith.constant 0 : i32
        %dma_wait3A_182 = tpu.memref_slice %arg15[%dma_wait3A_180, %dma_wait3A_181] : memref<10000x16xf32, #tpu.memory_space<vmem_shared>> -> memref<10000x16xf32, #tpu.memory_space<vmem_shared>>
        tpu.wait_indirect_dma semaphore(%arg16 : memref<!tpu.dma_semaphore, #tpu.memory_space<semaphore_mem>>) src(%dma_wait3A_182 : memref<10000x16xf32, #tpu.memory_space<vmem_shared>>) dst(%dma_wait3A_176 : memref<128x16xf32, #tpu.memory_space<vmem>>)
        %scan3A_183 = arith.constant 0 : i32
        %scan3A_184 = arith.constant 0 : i32
        %scan3A_185 = arith.constant 256 : i32
        %scan3A_186 = arith.addi %scan3A_184, %scan3A_185 : i32
        %scan3A_187 = arith.constant 1 : i32
        scf.for %scan3A_193 = %scan3A_184 to %scan3A_186 step %scan3A_187  : i32 {
          %get3A = arith.index_cast %scan3A_193 : i32 to index
          %get3A_194 = arith.constant 0 : index
          %get3A_195 = tpu.vector_load %arg11[%get3A, %get3A_194] {strides = array<i32>} : memref<256x128xf32, #tpu.memory_space<vmem>>, vector<1x16xf32>,
          %get3A_196 = vector.shape_cast %get3A_195 : vector<1x16xf32> to vector<16xf32>
          %get3A_197 = arith.index_cast %scan3A_193 : i32 to index
          %get3A_198 = arith.constant 0 : index
          %get3A_199 = tpu.vector_load %arg12[%get3A_197, %get3A_198] {strides = array<i32>} : memref<256x128xf32, #tpu.memory_space<vmem>>, vector<1x16xf32>,
          %get3A_200 = vector.shape_cast %get3A_199 : vector<1x16xf32> to vector<16xf32>
          %add3A_201 = arith.addf %get3A_196, %get3A_200 : vector<16xf32>
          %swap3A = arith.index_cast %scan3A_193 : i32 to index
          %swap3A_202 = arith.constant 0 : index
          %swap3A_203 = tpu.vector_load %arg11[%swap3A, %swap3A_202] {strides = array<i32>} : memref<256x128xf32, #tpu.memory_space<vmem>>, vector<1x16xf32>,
          %swap3A_204 = vector.shape_cast %swap3A_203 : vector<1x16xf32> to vector<16xf32>
          %swap3A_205 = vector.shape_cast %add3A_201 : vector<16xf32> to vector<1x16xf32>
          tpu.vector_store %arg11[%swap3A, %swap3A_202], %swap3A_205 {strides = array<i32>} : memref<256x128xf32, #tpu.memory_space<vmem>>, vector<1x16xf32>,
          %get3A_206 = arith.index_cast %scan3A_193 : i32 to index
          %get3A_207 = arith.constant 16 : index
          %get3A_208 = tpu.vector_load %arg11[%get3A_206, %get3A_207] {strides = array<i32>} : memref<256x128xf32, #tpu.memory_space<vmem>>, vector<1x16xf32>,
          %get3A_209 = vector.shape_cast %get3A_208 : vector<1x16xf32> to vector<16xf32>
          %get3A_210 = arith.index_cast %scan3A_193 : i32 to index
          %get3A_211 = arith.constant 16 : index
          %get3A_212 = tpu.vector_load %arg12[%get3A_210, %get3A_211] {strides = array<i32>} : memref<256x128xf32, #tpu.memory_space<vmem>>, vector<1x16xf32>,
          %get3A_213 = vector.shape_cast %get3A_212 : vector<1x16xf32> to vector<16xf32>
          %add3A_214 = arith.addf %get3A_209, %get3A_213 : vector<16xf32>
          %swap3A_215 = arith.index_cast %scan3A_193 : i32 to index
          %swap3A_216 = arith.constant 16 : index
          %swap3A_217 = tpu.vector_load %arg11[%swap3A_215, %swap3A_216] {strides = array<i32>} : memref<256x128xf32, #tpu.memory_space<vmem>>, vector<1x16xf32>,
          %swap3A_218 = vector.shape_cast %swap3A_217 : vector<1x16xf32> to vector<16xf32>
          %swap3A_219 = vector.shape_cast %add3A_214 : vector<16xf32> to vector<1x16xf32>
          tpu.vector_store %arg11[%swap3A_215, %swap3A_216], %swap3A_219 {strides = array<i32>} : memref<256x128xf32, #tpu.memory_space<vmem>>, vector<1x16xf32>,
          %get3A_220 = arith.index_cast %scan3A_193 : i32 to index
          %get3A_221 = arith.constant 32 : index
          %get3A_222 = tpu.vector_load %arg11[%get3A_220, %get3A_221] {strides = array<i32>} : memref<256x128xf32, #tpu.memory_space<vmem>>, vector<1x16xf32>,
          %get3A_223 = vector.shape_cast %get3A_222 : vector<1x16xf32> to vector<16xf32>
          %get3A_224 = arith.index_cast %scan3A_193 : i32 to index
          %get3A_225 = arith.constant 32 : index
          %get3A_226 = tpu.vector_load %arg12[%get3A_224, %get3A_225] {strides = array<i32>} : memref<256x128xf32, #tpu.memory_space<vmem>>, vector<1x16xf32>,
          %get3A_227 = vector.shape_cast %get3A_226 : vector<1x16xf32> to vector<16xf32>
          %add3A_228 = arith.addf %get3A_223, %get3A_227 : vector<16xf32>
          %swap3A_229 = arith.index_cast %scan3A_193 : i32 to index
          %swap3A_230 = arith.constant 32 : index
          %swap3A_231 = tpu.vector_load %arg11[%swap3A_229, %swap3A_230] {strides = array<i32>} : memref<256x128xf32, #tpu.memory_space<vmem>>, vector<1x16xf32>,
          %swap3A_232 = vector.shape_cast %swap3A_231 : vector<1x16xf32> to vector<16xf32>
          %swap3A_233 = vector.shape_cast %add3A_228 : vector<16xf32> to vector<1x16xf32>
          tpu.vector_store %arg11[%swap3A_229, %swap3A_230], %swap3A_233 {strides = array<i32>} : memref<256x128xf32, #tpu.memory_space<vmem>>, vector<1x16xf32>,
          %get3A_234 = arith.index_cast %scan3A_193 : i32 to index
          %get3A_235 = arith.constant 48 : index
          %get3A_236 = tpu.vector_load %arg11[%get3A_234, %get3A_235] {strides = array<i32>} : memref<256x128xf32, #tpu.memory_space<vmem>>, vector<1x16xf32>,
          %get3A_237 = vector.shape_cast %get3A_236 : vector<1x16xf32> to vector<16xf32>
          %get3A_238 = arith.index_cast %scan3A_193 : i32 to index
          %get3A_239 = arith.constant 48 : index
          %get3A_240 = tpu.vector_load %arg12[%get3A_238, %get3A_239] {strides = array<i32>} : memref<256x128xf32, #tpu.memory_space<vmem>>, vector<1x16xf32>,
          %get3A_241 = vector.shape_cast %get3A_240 : vector<1x16xf32> to vector<16xf32>
          %add3A_242 = arith.addf %get3A_237, %get3A_241 : vector<16xf32>
          %swap3A_243 = arith.index_cast %scan3A_193 : i32 to index
          %swap3A_244 = arith.constant 48 : index
          %swap3A_245 = tpu.vector_load %arg11[%swap3A_243, %swap3A_244] {strides = array<i32>} : memref<256x128xf32, #tpu.memory_space<vmem>>, vector<1x16xf32>,
          %swap3A_246 = vector.shape_cast %swap3A_245 : vector<1x16xf32> to vector<16xf32>
          %swap3A_247 = vector.shape_cast %add3A_242 : vector<16xf32> to vector<1x16xf32>
          tpu.vector_store %arg11[%swap3A_243, %swap3A_244], %swap3A_247 {strides = array<i32>} : memref<256x128xf32, #tpu.memory_space<vmem>>, vector<1x16xf32>,
          %get3A_248 = arith.index_cast %scan3A_193 : i32 to index
          %get3A_249 = arith.constant 64 : index
          %get3A_250 = tpu.vector_load %arg11[%get3A_248, %get3A_249] {strides = array<i32>} : memref<256x128xf32, #tpu.memory_space<vmem>>, vector<1x16xf32>,
          %get3A_251 = vector.shape_cast %get3A_250 : vector<1x16xf32> to vector<16xf32>
          %get3A_252 = arith.index_cast %scan3A_193 : i32 to index
          %get3A_253 = arith.constant 64 : index
          %get3A_254 = tpu.vector_load %arg12[%get3A_252, %get3A_253] {strides = array<i32>} : memref<256x128xf32, #tpu.memory_space<vmem>>, vector<1x16xf32>,
          %get3A_255 = vector.shape_cast %get3A_254 : vector<1x16xf32> to vector<16xf32>
          %add3A_256 = arith.addf %get3A_251, %get3A_255 : vector<16xf32>
          %swap3A_257 = arith.index_cast %scan3A_193 : i32 to index
          %swap3A_258 = arith.constant 64 : index
          %swap3A_259 = tpu.vector_load %arg11[%swap3A_257, %swap3A_258] {strides = array<i32>} : memref<256x128xf32, #tpu.memory_space<vmem>>, vector<1x16xf32>,
          %swap3A_260 = vector.shape_cast %swap3A_259 : vector<1x16xf32> to vector<16xf32>
          %swap3A_261 = vector.shape_cast %add3A_256 : vector<16xf32> to vector<1x16xf32>
          tpu.vector_store %arg11[%swap3A_257, %swap3A_258], %swap3A_261 {strides = array<i32>} : memref<256x128xf32, #tpu.memory_space<vmem>>, vector<1x16xf32>,
          %get3A_262 = arith.index_cast %scan3A_193 : i32 to index
          %get3A_263 = arith.constant 80 : index
          %get3A_264 = tpu.vector_load %arg11[%get3A_262, %get3A_263] {strides = array<i32>} : memref<256x128xf32, #tpu.memory_space<vmem>>, vector<1x16xf32>,
          %get3A_265 = vector.shape_cast %get3A_264 : vector<1x16xf32> to vector<16xf32>
          %get3A_266 = arith.index_cast %scan3A_193 : i32 to index
          %get3A_267 = arith.constant 80 : index
          %get3A_268 = tpu.vector_load %arg12[%get3A_266, %get3A_267] {strides = array<i32>} : memref<256x128xf32, #tpu.memory_space<vmem>>, vector<1x16xf32>,
          %get3A_269 = vector.shape_cast %get3A_268 : vector<1x16xf32> to vector<16xf32>
          %add3A_270 = arith.addf %get3A_265, %get3A_269 : vector<16xf32>
          %swap3A_271 = arith.index_cast %scan3A_193 : i32 to index
          %swap3A_272 = arith.constant 80 : index
          %swap3A_273 = tpu.vector_load %arg11[%swap3A_271, %swap3A_272] {strides = array<i32>} : memref<256x128xf32, #tpu.memory_space<vmem>>, vector<1x16xf32>,
          %swap3A_274 = vector.shape_cast %swap3A_273 : vector<1x16xf32> to vector<16xf32>
          %swap3A_275 = vector.shape_cast %add3A_270 : vector<16xf32> to vector<1x16xf32>
          tpu.vector_store %arg11[%swap3A_271, %swap3A_272], %swap3A_275 {strides = array<i32>} : memref<256x128xf32, #tpu.memory_space<vmem>>, vector<1x16xf32>,
          %get3A_276 = arith.index_cast %scan3A_193 : i32 to index
          %get3A_277 = arith.constant 96 : index
          %get3A_278 = tpu.vector_load %arg11[%get3A_276, %get3A_277] {strides = array<i32>} : memref<256x128xf32, #tpu.memory_space<vmem>>, vector<1x16xf32>,
          %get3A_279 = vector.shape_cast %get3A_278 : vector<1x16xf32> to vector<16xf32>
          %get3A_280 = arith.index_cast %scan3A_193 : i32 to index
          %get3A_281 = arith.constant 96 : index
          %get3A_282 = tpu.vector_load %arg12[%get3A_280, %get3A_281] {strides = array<i32>} : memref<256x128xf32, #tpu.memory_space<vmem>>, vector<1x16xf32>,
          %get3A_283 = vector.shape_cast %get3A_282 : vector<1x16xf32> to vector<16xf32>
          %add3A_284 = arith.addf %get3A_279, %get3A_283 : vector<16xf32>
          %swap3A_285 = arith.index_cast %scan3A_193 : i32 to index
          %swap3A_286 = arith.constant 96 : index
          %swap3A_287 = tpu.vector_load %arg11[%swap3A_285, %swap3A_286] {strides = array<i32>} : memref<256x128xf32, #tpu.memory_space<vmem>>, vector<1x16xf32>,
          %swap3A_288 = vector.shape_cast %swap3A_287 : vector<1x16xf32> to vector<16xf32>
          %swap3A_289 = vector.shape_cast %add3A_284 : vector<16xf32> to vector<1x16xf32>
          tpu.vector_store %arg11[%swap3A_285, %swap3A_286], %swap3A_289 {strides = array<i32>} : memref<256x128xf32, #tpu.memory_space<vmem>>, vector<1x16xf32>,
          %get3A_290 = arith.index_cast %scan3A_193 : i32 to index
          %get3A_291 = arith.constant 112 : index
          %get3A_292 = tpu.vector_load %arg11[%get3A_290, %get3A_291] {strides = array<i32>} : memref<256x128xf32, #tpu.memory_space<vmem>>, vector<1x16xf32>,
          %get3A_293 = vector.shape_cast %get3A_292 : vector<1x16xf32> to vector<16xf32>
          %get3A_294 = arith.index_cast %scan3A_193 : i32 to index
          %get3A_295 = arith.constant 112 : index
          %get3A_296 = tpu.vector_load %arg12[%get3A_294, %get3A_295] {strides = array<i32>} : memref<256x128xf32, #tpu.memory_space<vmem>>, vector<1x16xf32>,
          %get3A_297 = vector.shape_cast %get3A_296 : vector<1x16xf32> to vector<16xf32>
          %add3A_298 = arith.addf %get3A_293, %get3A_297 : vector<16xf32>
          %swap3A_299 = arith.index_cast %scan3A_193 : i32 to index
          %swap3A_300 = arith.constant 112 : index
          %swap3A_301 = tpu.vector_load %arg11[%swap3A_299, %swap3A_300] {strides = array<i32>} : memref<256x128xf32, #tpu.memory_space<vmem>>, vector<1x16xf32>,
          %swap3A_302 = vector.shape_cast %swap3A_301 : vector<1x16xf32> to vector<16xf32>
          %swap3A_303 = vector.shape_cast %add3A_298 : vector<16xf32> to vector<1x16xf32>
          tpu.vector_store %arg11[%swap3A_299, %swap3A_300], %swap3A_303 {strides = array<i32>} : memref<256x128xf32, #tpu.memory_space<vmem>>, vector<1x16xf32>,
          %get3A_304 = arith.index_cast %scan3A_193 : i32 to index
          %get3A_305 = arith.constant 0 : index
          %get3A_306 = tpu.vector_load %arg13[%get3A_304, %get3A_305] {strides = array<i32>} : memref<256x16xf32, #tpu.memory_space<vmem>>, vector<1x16xf32>,
          %get3A_307 = vector.shape_cast %get3A_306 : vector<1x16xf32> to vector<16xf32>
          %get3A_308 = arith.index_cast %scan3A_193 : i32 to index
          %get3A_309 = arith.constant 0 : index
          %get3A_310 = tpu.vector_load %arg14[%get3A_308, %get3A_309] {strides = array<i32>} : memref<256x16xf32, #tpu.memory_space<vmem>>, vector<1x16xf32>,
          %get3A_311 = vector.shape_cast %get3A_310 : vector<1x16xf32> to vector<16xf32>
          %sub3A = arith.subf %get3A_307, %get3A_311 : vector<16xf32>
          %swap3A_312 = arith.index_cast %scan3A_193 : i32 to index
          %swap3A_313 = arith.constant 0 : index
          %swap3A_314 = tpu.vector_load %arg13[%swap3A_312, %swap3A_313] {strides = array<i32>} : memref<256x16xf32, #tpu.memory_space<vmem>>, vector<1x16xf32>,
          %swap3A_315 = vector.shape_cast %swap3A_314 : vector<1x16xf32> to vector<16xf32>
          %swap3A_316 = vector.shape_cast %sub3A : vector<16xf32> to vector<1x16xf32>
          tpu.vector_store %arg13[%swap3A_312, %swap3A_313], %swap3A_316 {strides = array<i32>} : memref<256x16xf32, #tpu.memory_space<vmem>>, vector<1x16xf32>,
        }
        %scan3A_188 = arith.constant 256 : i32
        %mul3A_189 = arith.constant 256 : i32
        %mul3A_190 = arith.muli %add3A_15, %mul3A_189 : i32
        "tpu.region"() ({
          %run_scoped3A = tpu.sem_alloc : memref<!tpu.dma_semaphore, #tpu.memory_space<semaphore_mem>>
          %dma_start3A_193 = arith.constant 0 : i32
          %dma_start3A_194 = tpu.memref_slice %arg7[%mul3A_190, %dma_start3A_193] : memref<320000x128xf32, #tpu.memory_space<hbm>> -> memref<256x128xf32, #tpu.memory_space<hbm>>
          %dma_start3A_195 = arith.constant 0 : i32
          %dma_start3A_196 = tpu.memref_slice %arg7[%mul3A_190, %dma_start3A_195] : memref<320000x128xf32, #tpu.memory_space<hbm>> -> memref<256x128xf32, #tpu.memory_space<hbm>>
          tpu.enqueue_dma source(%arg11 : memref<256x128xf32, #tpu.memory_space<vmem>>) target(%dma_start3A_196 : memref<256x128xf32, #tpu.memory_space<hbm>>) target_semaphore(%run_scoped3A : memref<!tpu.dma_semaphore, #tpu.memory_space<semaphore_mem>>)
          %dma_wait3A_197 = arith.constant 0 : i32
          %dma_wait3A_198 = tpu.memref_slice %arg7[%mul3A_190, %dma_wait3A_197] : memref<320000x128xf32, #tpu.memory_space<hbm>> -> memref<256x128xf32, #tpu.memory_space<hbm>>
          %dma_wait3A_199 = arith.constant 0 : i32
          %dma_wait3A_200 = tpu.memref_slice %arg7[%mul3A_190, %dma_wait3A_199] : memref<320000x128xf32, #tpu.memory_space<hbm>> -> memref<256x128xf32, #tpu.memory_space<hbm>>
          tpu.wait_dma2 semaphore(%run_scoped3A : memref<!tpu.dma_semaphore, #tpu.memory_space<semaphore_mem>>) src(%arg11 : memref<256x128xf32, #tpu.memory_space<vmem>>) dst(%dma_wait3A_200 : memref<256x128xf32, #tpu.memory_space<hbm>>)
          tpu.yield
        }) : () -> ()
        %mul3A_191 = arith.constant 256 : i32
        %mul3A_192 = arith.muli %add3A_15, %mul3A_191 : i32
        "tpu.region"() ({
          %run_scoped3A = tpu.sem_alloc : memref<!tpu.dma_semaphore, #tpu.memory_space<semaphore_mem>>
          %dma_start3A_193 = arith.constant 0 : i32
          %dma_start3A_194 = tpu.memref_slice %arg8[%mul3A_192, %dma_start3A_193] : memref<320000x16xf32, #tpu.memory_space<hbm>> -> memref<256x16xf32, #tpu.memory_space<hbm>>
          %dma_start3A_195 = arith.constant 0 : i32
          %dma_start3A_196 = tpu.memref_slice %arg8[%mul3A_192, %dma_start3A_195] : memref<320000x16xf32, #tpu.memory_space<hbm>> -> memref<256x16xf32, #tpu.memory_space<hbm>>
          tpu.enqueue_dma source(%arg13 : memref<256x16xf32, #tpu.memory_space<vmem>>) target(%dma_start3A_196 : memref<256x16xf32, #tpu.memory_space<hbm>>) target_semaphore(%run_scoped3A : memref<!tpu.dma_semaphore, #tpu.memory_space<semaphore_mem>>)
          %dma_wait3A_197 = arith.constant 0 : i32
          %dma_wait3A_198 = tpu.memref_slice %arg8[%mul3A_192, %dma_wait3A_197] : memref<320000x16xf32, #tpu.memory_space<hbm>> -> memref<256x16xf32, #tpu.memory_space<hbm>>
          %dma_wait3A_199 = arith.constant 0 : i32
          %dma_wait3A_200 = tpu.memref_slice %arg8[%mul3A_192, %dma_wait3A_199] : memref<320000x16xf32, #tpu.memory_space<hbm>> -> memref<256x16xf32, #tpu.memory_space<hbm>>
          tpu.wait_dma2 semaphore(%run_scoped3A : memref<!tpu.dma_semaphore, #tpu.memory_space<semaphore_mem>>) src(%arg13 : memref<256x16xf32, #tpu.memory_space<vmem>>) dst(%dma_wait3A_200 : memref<256x16xf32, #tpu.memory_space<hbm>>)
          tpu.yield
        }) : () -> ()
      } else {
      }
    }
    %scan3A_11 = arith.constant 40 : i32
    return
  }
}

#map = affine_map<(d0, d1) -> (0, 0)>
#map1 = affine_map<(d0, d1) -> (0, 0, 0)>
module attributes {stable_mosaic.version = 14 : i64} {
  func.func @scatter_kernel(%arg0: i32, %arg1: i32, %arg2: memref<320000x128xf32, #tpu.memory_space<hbm>>, %arg3: memref<320000x16xf32, #tpu.memory_space<hbm>>, %arg4: memref<2500x128xi32, #tpu.memory_space<hbm>>, %arg5: memref<10000x128xf32, #tpu.memory_space<hbm>>, %arg6: memref<10000x16xf32, #tpu.memory_space<hbm>>, %arg7: memref<2x10000x128xf32, #tpu.memory_space<hbm>>, %arg8: memref<2x10000x16xf32, #tpu.memory_space<hbm>>, %arg9: memref<2x128xi32, #tpu.memory_space<vmem>>, %arg10: memref<256x128xf32, #tpu.memory_space<vmem>>, %arg11: memref<256x16xf32, #tpu.memory_space<vmem>>, %arg12: memref<10000x128xf32, #tpu.memory_space<vmem_shared>>, %arg13: memref<10000x16xf32, #tpu.memory_space<vmem_shared>>) attributes {dimension_semantics = [#tpu.dimension_semantics<core_parallel>, #tpu.dimension_semantics<subcore_parallel>], iteration_bounds = array<i64: 2, 16>, scalar_prefetch = 0 : i64, scratch_operands = 5 : i64, tpu.core_type = #tpu.core_type<sc_vector_subcore>, window_params = [{transform_indices = #map}, {transform_indices = #map}, {transform_indices = #map}, {transform_indices = #map}, {transform_indices = #map}, {transform_indices = #map1}, {transform_indices = #map1}]} {
    %mul3A = arith.constant 2 : i32
    %mul3A_0 = arith.muli %arg1, %mul3A : i32
    %add3A = arith.addi %mul3A_0, %arg0 : i32
    %lt3A = arith.constant 15 : i32
    %lt3A_1 = arith.cmpi slt, %arg1, %lt3A : i32
    %convert_element_type3A = arith.extui %lt3A_1 : i1 to i32
    %cond3A = arith.constant 0 : i32
    %cond3A_2 = arith.cmpi ne, %convert_element_type3A, %cond3A : i32
    scf.if %cond3A_2 {
      %mul3A_43 = arith.constant 632 : i32
      %mul3A_44 = arith.muli %arg1, %mul3A_43 : i32
      %mul3A_45 = arith.constant 632 : i32
      %mul3A_46 = arith.muli %arg1, %mul3A_45 : i32
      "tpu.region"() ({
        %run_scoped3A = tpu.sem_alloc : memref<!tpu.dma_semaphore, #tpu.memory_space<semaphore_mem>>
        %dma_start3A = arith.constant 0 : i32
        %dma_start3A_47 = tpu.memref_slice %arg12[%mul3A_46, %dma_start3A] : memref<10000x128xf32, #tpu.memory_space<vmem_shared>> -> memref<632x128xf32, #tpu.memory_space<vmem_shared>>
        %dma_start3A_48 = arith.constant 0 : i32
        %dma_start3A_49 = tpu.memref_slice %arg5[%mul3A_44, %dma_start3A_48] : memref<10000x128xf32, #tpu.memory_space<hbm>> -> memref<632x128xf32, #tpu.memory_space<hbm>>
        tpu.enqueue_dma source(%dma_start3A_49 : memref<632x128xf32, #tpu.memory_space<hbm>>) target(%dma_start3A_47 : memref<632x128xf32, #tpu.memory_space<vmem_shared>>) target_semaphore(%run_scoped3A : memref<!tpu.dma_semaphore, #tpu.memory_space<semaphore_mem>>)
        %dma_wait3A = arith.constant 0 : i32
        %dma_wait3A_50 = tpu.memref_slice %arg12[%mul3A_46, %dma_wait3A] : memref<10000x128xf32, #tpu.memory_space<vmem_shared>> -> memref<632x128xf32, #tpu.memory_space<vmem_shared>>
        %dma_wait3A_51 = arith.constant 0 : i32
        %dma_wait3A_52 = tpu.memref_slice %arg5[%mul3A_44, %dma_wait3A_51] : memref<10000x128xf32, #tpu.memory_space<hbm>> -> memref<632x128xf32, #tpu.memory_space<hbm>>
        tpu.wait_dma2 semaphore(%run_scoped3A : memref<!tpu.dma_semaphore, #tpu.memory_space<semaphore_mem>>) src(%dma_wait3A_52 : memref<632x128xf32, #tpu.memory_space<hbm>>) dst(%dma_wait3A_50 : memref<632x128xf32, #tpu.memory_space<vmem_shared>>)
        tpu.yield
      }) : () -> ()
    } else {
    }
    %eq3A = arith.constant 15 : i32
    %eq3A_3 = arith.cmpi eq, %arg1, %eq3A : i32
    %convert_element_type3A_4 = arith.extui %eq3A_3 : i1 to i32
    %cond3A_5 = arith.constant 0 : i32
    %cond3A_6 = arith.cmpi ne, %convert_element_type3A_4, %cond3A_5 : i32
    scf.if %cond3A_6 {
      "tpu.region"() ({
        %run_scoped3A = tpu.sem_alloc : memref<!tpu.dma_semaphore, #tpu.memory_space<semaphore_mem>>
        %dma_start3A = arith.constant 9480 : i32
        %dma_start3A_43 = arith.constant 0 : i32
        %dma_start3A_44 = tpu.memref_slice %arg12[%dma_start3A, %dma_start3A_43] : memref<10000x128xf32, #tpu.memory_space<vmem_shared>> -> memref<520x128xf32, #tpu.memory_space<vmem_shared>>
        %dma_start3A_45 = arith.constant 9480 : i32
        %dma_start3A_46 = arith.constant 0 : i32
        %dma_start3A_47 = tpu.memref_slice %arg5[%dma_start3A_45, %dma_start3A_46] : memref<10000x128xf32, #tpu.memory_space<hbm>> -> memref<520x128xf32, #tpu.memory_space<hbm>>
        tpu.enqueue_dma source(%dma_start3A_47 : memref<520x128xf32, #tpu.memory_space<hbm>>) target(%dma_start3A_44 : memref<520x128xf32, #tpu.memory_space<vmem_shared>>) target_semaphore(%run_scoped3A : memref<!tpu.dma_semaphore, #tpu.memory_space<semaphore_mem>>)
        %dma_wait3A = arith.constant 9480 : i32
        %dma_wait3A_48 = arith.constant 0 : i32
        %dma_wait3A_49 = tpu.memref_slice %arg12[%dma_wait3A, %dma_wait3A_48] : memref<10000x128xf32, #tpu.memory_space<vmem_shared>> -> memref<520x128xf32, #tpu.memory_space<vmem_shared>>
        %dma_wait3A_50 = arith.constant 9480 : i32
        %dma_wait3A_51 = arith.constant 0 : i32
        %dma_wait3A_52 = tpu.memref_slice %arg5[%dma_wait3A_50, %dma_wait3A_51] : memref<10000x128xf32, #tpu.memory_space<hbm>> -> memref<520x128xf32, #tpu.memory_space<hbm>>
        tpu.wait_dma2 semaphore(%run_scoped3A : memref<!tpu.dma_semaphore, #tpu.memory_space<semaphore_mem>>) src(%dma_wait3A_52 : memref<520x128xf32, #tpu.memory_space<hbm>>) dst(%dma_wait3A_49 : memref<520x128xf32, #tpu.memory_space<vmem_shared>>)
        tpu.yield
      }) : () -> ()
    } else {
    }
    %lt3A_7 = arith.constant 15 : i32
    %lt3A_8 = arith.cmpi slt, %arg1, %lt3A_7 : i32
    %convert_element_type3A_9 = arith.extui %lt3A_8 : i1 to i32
    %cond3A_10 = arith.constant 0 : i32
    %cond3A_11 = arith.cmpi ne, %convert_element_type3A_9, %cond3A_10 : i32
    scf.if %cond3A_11 {
      %mul3A_43 = arith.constant 632 : i32
      %mul3A_44 = arith.muli %arg1, %mul3A_43 : i32
      %mul3A_45 = arith.constant 632 : i32
      %mul3A_46 = arith.muli %arg1, %mul3A_45 : i32
      "tpu.region"() ({
        %run_scoped3A = tpu.sem_alloc : memref<!tpu.dma_semaphore, #tpu.memory_space<semaphore_mem>>
        %dma_start3A = arith.constant 0 : i32
        %dma_start3A_47 = tpu.memref_slice %arg13[%mul3A_46, %dma_start3A] : memref<10000x16xf32, #tpu.memory_space<vmem_shared>> -> memref<632x16xf32, #tpu.memory_space<vmem_shared>>
        %dma_start3A_48 = arith.constant 0 : i32
        %dma_start3A_49 = tpu.memref_slice %arg6[%mul3A_44, %dma_start3A_48] : memref<10000x16xf32, #tpu.memory_space<hbm>> -> memref<632x16xf32, #tpu.memory_space<hbm>>
        tpu.enqueue_dma source(%dma_start3A_49 : memref<632x16xf32, #tpu.memory_space<hbm>>) target(%dma_start3A_47 : memref<632x16xf32, #tpu.memory_space<vmem_shared>>) target_semaphore(%run_scoped3A : memref<!tpu.dma_semaphore, #tpu.memory_space<semaphore_mem>>)
        %dma_wait3A = arith.constant 0 : i32
        %dma_wait3A_50 = tpu.memref_slice %arg13[%mul3A_46, %dma_wait3A] : memref<10000x16xf32, #tpu.memory_space<vmem_shared>> -> memref<632x16xf32, #tpu.memory_space<vmem_shared>>
        %dma_wait3A_51 = arith.constant 0 : i32
        %dma_wait3A_52 = tpu.memref_slice %arg6[%mul3A_44, %dma_wait3A_51] : memref<10000x16xf32, #tpu.memory_space<hbm>> -> memref<632x16xf32, #tpu.memory_space<hbm>>
        tpu.wait_dma2 semaphore(%run_scoped3A : memref<!tpu.dma_semaphore, #tpu.memory_space<semaphore_mem>>) src(%dma_wait3A_52 : memref<632x16xf32, #tpu.memory_space<hbm>>) dst(%dma_wait3A_50 : memref<632x16xf32, #tpu.memory_space<vmem_shared>>)
        tpu.yield
      }) : () -> ()
    } else {
    }
    %eq3A_12 = arith.constant 15 : i32
    %eq3A_13 = arith.cmpi eq, %arg1, %eq3A_12 : i32
    %convert_element_type3A_14 = arith.extui %eq3A_13 : i1 to i32
    %cond3A_15 = arith.constant 0 : i32
    %cond3A_16 = arith.cmpi ne, %convert_element_type3A_14, %cond3A_15 : i32
    scf.if %cond3A_16 {
      "tpu.region"() ({
        %run_scoped3A = tpu.sem_alloc : memref<!tpu.dma_semaphore, #tpu.memory_space<semaphore_mem>>
        %dma_start3A = arith.constant 9480 : i32
        %dma_start3A_43 = arith.constant 0 : i32
        %dma_start3A_44 = tpu.memref_slice %arg13[%dma_start3A, %dma_start3A_43] : memref<10000x16xf32, #tpu.memory_space<vmem_shared>> -> memref<520x16xf32, #tpu.memory_space<vmem_shared>>
        %dma_start3A_45 = arith.constant 9480 : i32
        %dma_start3A_46 = arith.constant 0 : i32
        %dma_start3A_47 = tpu.memref_slice %arg6[%dma_start3A_45, %dma_start3A_46] : memref<10000x16xf32, #tpu.memory_space<hbm>> -> memref<520x16xf32, #tpu.memory_space<hbm>>
        tpu.enqueue_dma source(%dma_start3A_47 : memref<520x16xf32, #tpu.memory_space<hbm>>) target(%dma_start3A_44 : memref<520x16xf32, #tpu.memory_space<vmem_shared>>) target_semaphore(%run_scoped3A : memref<!tpu.dma_semaphore, #tpu.memory_space<semaphore_mem>>)
        %dma_wait3A = arith.constant 9480 : i32
        %dma_wait3A_48 = arith.constant 0 : i32
        %dma_wait3A_49 = tpu.memref_slice %arg13[%dma_wait3A, %dma_wait3A_48] : memref<10000x16xf32, #tpu.memory_space<vmem_shared>> -> memref<520x16xf32, #tpu.memory_space<vmem_shared>>
        %dma_wait3A_50 = arith.constant 9480 : i32
        %dma_wait3A_51 = arith.constant 0 : i32
        %dma_wait3A_52 = tpu.memref_slice %arg6[%dma_wait3A_50, %dma_wait3A_51] : memref<10000x16xf32, #tpu.memory_space<hbm>> -> memref<520x16xf32, #tpu.memory_space<hbm>>
        tpu.wait_dma2 semaphore(%run_scoped3A : memref<!tpu.dma_semaphore, #tpu.memory_space<semaphore_mem>>) src(%dma_wait3A_52 : memref<520x16xf32, #tpu.memory_space<hbm>>) dst(%dma_wait3A_49 : memref<520x16xf32, #tpu.memory_space<vmem_shared>>)
        tpu.yield
      }) : () -> ()
    } else {
    }
    %barrier3A = arith.constant 0 : index
    tpu.barrier barrier_id(%barrier3A)
    %scan3A = arith.constant 0 : i32
    %scan3A_17 = arith.constant 0 : i32
    %scan3A_18 = arith.constant 40 : i32
    %scan3A_19 = arith.addi %scan3A_17, %scan3A_18 : i32
    %scan3A_20 = arith.constant 1 : i32
    scf.for %scan3A_43 = %scan3A_17 to %scan3A_19 step %scan3A_20  : i32 {
      %mul3A_44 = arith.constant 32 : i32
      %mul3A_45 = arith.muli %scan3A_43, %mul3A_44 : i32
      %add3A_46 = arith.addi %add3A, %mul3A_45 : i32
      %lt3A_47 = arith.constant 1250 : i32
      %lt3A_48 = arith.cmpi slt, %add3A_46, %lt3A_47 : i32
      %convert_element_type3A_49 = arith.extui %lt3A_48 : i1 to i32
      %cond3A_50 = arith.constant 0 : i32
      %cond3A_51 = arith.cmpi ne, %convert_element_type3A_49, %cond3A_50 : i32
      scf.if %cond3A_51 {
        %mul3A_52 = arith.constant 2 : i32
        %mul3A_53 = arith.muli %add3A_46, %mul3A_52 : i32
        "tpu.region"() ({
          %run_scoped3A_61 = tpu.sem_alloc : memref<!tpu.dma_semaphore, #tpu.memory_space<semaphore_mem>>
          %dma_start3A = arith.constant 0 : i32
          %dma_start3A_62 = tpu.memref_slice %arg4[%mul3A_53, %dma_start3A] : memref<2500x128xi32, #tpu.memory_space<hbm>> -> memref<2x128xi32, #tpu.memory_space<hbm>>
          %dma_start3A_63 = arith.constant 0 : i32
          %dma_start3A_64 = tpu.memref_slice %arg4[%mul3A_53, %dma_start3A_63] : memref<2500x128xi32, #tpu.memory_space<hbm>> -> memref<2x128xi32, #tpu.memory_space<hbm>>
          tpu.enqueue_dma source(%dma_start3A_64 : memref<2x128xi32, #tpu.memory_space<hbm>>) target(%arg9 : memref<2x128xi32, #tpu.memory_space<vmem>>) target_semaphore(%run_scoped3A_61 : memref<!tpu.dma_semaphore, #tpu.memory_space<semaphore_mem>>)
          %dma_wait3A = arith.constant 0 : i32
          %dma_wait3A_65 = tpu.memref_slice %arg4[%mul3A_53, %dma_wait3A] : memref<2500x128xi32, #tpu.memory_space<hbm>> -> memref<2x128xi32, #tpu.memory_space<hbm>>
          %dma_wait3A_66 = arith.constant 0 : i32
          %dma_wait3A_67 = tpu.memref_slice %arg4[%mul3A_53, %dma_wait3A_66] : memref<2500x128xi32, #tpu.memory_space<hbm>> -> memref<2x128xi32, #tpu.memory_space<hbm>>
          tpu.wait_dma2 semaphore(%run_scoped3A_61 : memref<!tpu.dma_semaphore, #tpu.memory_space<semaphore_mem>>) src(%dma_wait3A_67 : memref<2x128xi32, #tpu.memory_space<hbm>>) dst(%arg9 : memref<2x128xi32, #tpu.memory_space<vmem>>)
          tpu.yield
        }) : () -> ()
        %mul3A_54 = arith.constant 256 : i32
        %mul3A_55 = arith.muli %add3A_46, %mul3A_54 : i32
        "tpu.region"() ({
          %run_scoped3A_61 = tpu.sem_alloc : memref<!tpu.dma_semaphore, #tpu.memory_space<semaphore_mem>>
          %dma_start3A = arith.constant 0 : i32
          %dma_start3A_62 = tpu.memref_slice %arg2[%mul3A_55, %dma_start3A] : memref<320000x128xf32, #tpu.memory_space<hbm>> -> memref<256x128xf32, #tpu.memory_space<hbm>>
          %dma_start3A_63 = arith.constant 0 : i32
          %dma_start3A_64 = tpu.memref_slice %arg2[%mul3A_55, %dma_start3A_63] : memref<320000x128xf32, #tpu.memory_space<hbm>> -> memref<256x128xf32, #tpu.memory_space<hbm>>
          tpu.enqueue_dma source(%dma_start3A_64 : memref<256x128xf32, #tpu.memory_space<hbm>>) target(%arg10 : memref<256x128xf32, #tpu.memory_space<vmem>>) target_semaphore(%run_scoped3A_61 : memref<!tpu.dma_semaphore, #tpu.memory_space<semaphore_mem>>)
          %dma_wait3A = arith.constant 0 : i32
          %dma_wait3A_65 = tpu.memref_slice %arg2[%mul3A_55, %dma_wait3A] : memref<320000x128xf32, #tpu.memory_space<hbm>> -> memref<256x128xf32, #tpu.memory_space<hbm>>
          %dma_wait3A_66 = arith.constant 0 : i32
          %dma_wait3A_67 = tpu.memref_slice %arg2[%mul3A_55, %dma_wait3A_66] : memref<320000x128xf32, #tpu.memory_space<hbm>> -> memref<256x128xf32, #tpu.memory_space<hbm>>
          tpu.wait_dma2 semaphore(%run_scoped3A_61 : memref<!tpu.dma_semaphore, #tpu.memory_space<semaphore_mem>>) src(%dma_wait3A_67 : memref<256x128xf32, #tpu.memory_space<hbm>>) dst(%arg10 : memref<256x128xf32, #tpu.memory_space<vmem>>)
          tpu.yield
        }) : () -> ()
        %mul3A_56 = arith.constant 256 : i32
        %mul3A_57 = arith.muli %add3A_46, %mul3A_56 : i32
        "tpu.region"() ({
          %run_scoped3A_61 = tpu.sem_alloc : memref<!tpu.dma_semaphore, #tpu.memory_space<semaphore_mem>>
          %dma_start3A = arith.constant 0 : i32
          %dma_start3A_62 = tpu.memref_slice %arg3[%mul3A_57, %dma_start3A] : memref<320000x16xf32, #tpu.memory_space<hbm>> -> memref<256x16xf32, #tpu.memory_space<hbm>>
          %dma_start3A_63 = arith.constant 0 : i32
          %dma_start3A_64 = tpu.memref_slice %arg3[%mul3A_57, %dma_start3A_63] : memref<320000x16xf32, #tpu.memory_space<hbm>> -> memref<256x16xf32, #tpu.memory_space<hbm>>
          tpu.enqueue_dma source(%dma_start3A_64 : memref<256x16xf32, #tpu.memory_space<hbm>>) target(%arg11 : memref<256x16xf32, #tpu.memory_space<vmem>>) target_semaphore(%run_scoped3A_61 : memref<!tpu.dma_semaphore, #tpu.memory_space<semaphore_mem>>)
          %dma_wait3A = arith.constant 0 : i32
          %dma_wait3A_65 = tpu.memref_slice %arg3[%mul3A_57, %dma_wait3A] : memref<320000x16xf32, #tpu.memory_space<hbm>> -> memref<256x16xf32, #tpu.memory_space<hbm>>
          %dma_wait3A_66 = arith.constant 0 : i32
          %dma_wait3A_67 = tpu.memref_slice %arg3[%mul3A_57, %dma_wait3A_66] : memref<320000x16xf32, #tpu.memory_space<hbm>> -> memref<256x16xf32, #tpu.memory_space<hbm>>
          tpu.wait_dma2 semaphore(%run_scoped3A_61 : memref<!tpu.dma_semaphore, #tpu.memory_space<semaphore_mem>>) src(%dma_wait3A_67 : memref<256x16xf32, #tpu.memory_space<hbm>>) dst(%arg11 : memref<256x16xf32, #tpu.memory_space<vmem>>)
          tpu.yield
        }) : () -> ()
        %run_scoped3A = arith.constant 0 : i32
        "tpu.region"() ({
          %run_scoped3A_61 = tpu.sem_alloc : memref<!tpu.dma_semaphore, #tpu.memory_space<semaphore_mem>>
          %dma_start3A = arith.constant 0 : i32
          %dma_start3A_62 = arith.constant 0 : i32
          %dma_start3A_63 = tpu.memref_slice %arg10[%dma_start3A, %dma_start3A_62] : memref<256x128xf32, #tpu.memory_space<vmem>> -> memref<128x128xf32, #tpu.memory_space<vmem>>
          %dma_start3A_64 = arith.constant 0 : i32
          %dma_start3A_65 = tpu.memref_slice %arg9[%run_scoped3A, %dma_start3A_64] : memref<2x128xi32, #tpu.memory_space<vmem>> -> memref<1x128xi32, #tpu.memory_space<vmem>>
          %dma_start3A_66 = tpu.memref_squeeze %dma_start3A_65 : memref<1x128xi32, #tpu.memory_space<vmem>> -> memref<128xi32, #tpu.memory_space<vmem>>
          %dma_start3A_67 = arith.constant 0 : i32
          %dma_start3A_68 = arith.constant 0 : i32
          %dma_start3A_69 = tpu.memref_slice %arg12[%dma_start3A_67, %dma_start3A_68] : memref<10000x128xf32, #tpu.memory_space<vmem_shared>> -> memref<10000x128xf32, #tpu.memory_space<vmem_shared>>
          tpu.enqueue_indirect_dma source(%dma_start3A_63 : memref<128x128xf32, #tpu.memory_space<vmem>>) target(%dma_start3A_69 : memref<10000x128xf32, #tpu.memory_space<vmem_shared>>) offsets(%dma_start3A_66 : memref<128xi32, #tpu.memory_space<vmem>>) semaphore(%run_scoped3A_61 : memref<!tpu.dma_semaphore, #tpu.memory_space<semaphore_mem>>) {add = true}
          %dma_wait3A = arith.constant 0 : i32
          %dma_wait3A_70 = arith.constant 0 : i32
          %dma_wait3A_71 = tpu.memref_slice %arg10[%dma_wait3A, %dma_wait3A_70] : memref<256x128xf32, #tpu.memory_space<vmem>> -> memref<128x128xf32, #tpu.memory_space<vmem>>
          %dma_wait3A_72 = arith.constant 0 : i32
          %dma_wait3A_73 = tpu.memref_slice %arg9[%run_scoped3A, %dma_wait3A_72] : memref<2x128xi32, #tpu.memory_space<vmem>> -> memref<1x128xi32, #tpu.memory_space<vmem>>
          %dma_wait3A_74 = tpu.memref_squeeze %dma_wait3A_73 : memref<1x128xi32, #tpu.memory_space<vmem>> -> memref<128xi32, #tpu.memory_space<vmem>>
          %dma_wait3A_75 = arith.constant 0 : i32
          %dma_wait3A_76 = arith.constant 0 : i32
          %dma_wait3A_77 = tpu.memref_slice %arg12[%dma_wait3A_75, %dma_wait3A_76] : memref<10000x128xf32, #tpu.memory_space<vmem_shared>> -> memref<10000x128xf32, #tpu.memory_space<vmem_shared>>
          tpu.wait_indirect_dma semaphore(%run_scoped3A_61 : memref<!tpu.dma_semaphore, #tpu.memory_space<semaphore_mem>>) src(%dma_wait3A_71 : memref<128x128xf32, #tpu.memory_space<vmem>>) dst(%dma_wait3A_77 : memref<10000x128xf32, #tpu.memory_space<vmem_shared>>)
          tpu.yield
        }) : () -> ()
        %run_scoped3A_58 = arith.constant 0 : i32
        "tpu.region"() ({
          %run_scoped3A_61 = tpu.sem_alloc : memref<!tpu.dma_semaphore, #tpu.memory_space<semaphore_mem>>
          %dma_start3A = arith.constant 0 : i32
          %dma_start3A_62 = arith.constant 0 : i32
          %dma_start3A_63 = tpu.memref_slice %arg11[%dma_start3A, %dma_start3A_62] : memref<256x16xf32, #tpu.memory_space<vmem>> -> memref<128x16xf32, #tpu.memory_space<vmem>>
          %dma_start3A_64 = arith.constant 0 : i32
          %dma_start3A_65 = tpu.memref_slice %arg9[%run_scoped3A_58, %dma_start3A_64] : memref<2x128xi32, #tpu.memory_space<vmem>> -> memref<1x128xi32, #tpu.memory_space<vmem>>
          %dma_start3A_66 = tpu.memref_squeeze %dma_start3A_65 : memref<1x128xi32, #tpu.memory_space<vmem>> -> memref<128xi32, #tpu.memory_space<vmem>>
          %dma_start3A_67 = arith.constant 0 : i32
          %dma_start3A_68 = arith.constant 0 : i32
          %dma_start3A_69 = tpu.memref_slice %arg13[%dma_start3A_67, %dma_start3A_68] : memref<10000x16xf32, #tpu.memory_space<vmem_shared>> -> memref<10000x16xf32, #tpu.memory_space<vmem_shared>>
          tpu.enqueue_indirect_dma source(%dma_start3A_63 : memref<128x16xf32, #tpu.memory_space<vmem>>) target(%dma_start3A_69 : memref<10000x16xf32, #tpu.memory_space<vmem_shared>>) offsets(%dma_start3A_66 : memref<128xi32, #tpu.memory_space<vmem>>) semaphore(%run_scoped3A_61 : memref<!tpu.dma_semaphore, #tpu.memory_space<semaphore_mem>>) {add = true}
          %dma_wait3A = arith.constant 0 : i32
          %dma_wait3A_70 = arith.constant 0 : i32
          %dma_wait3A_71 = tpu.memref_slice %arg11[%dma_wait3A, %dma_wait3A_70] : memref<256x16xf32, #tpu.memory_space<vmem>> -> memref<128x16xf32, #tpu.memory_space<vmem>>
          %dma_wait3A_72 = arith.constant 0 : i32
          %dma_wait3A_73 = tpu.memref_slice %arg9[%run_scoped3A_58, %dma_wait3A_72] : memref<2x128xi32, #tpu.memory_space<vmem>> -> memref<1x128xi32, #tpu.memory_space<vmem>>
          %dma_wait3A_74 = tpu.memref_squeeze %dma_wait3A_73 : memref<1x128xi32, #tpu.memory_space<vmem>> -> memref<128xi32, #tpu.memory_space<vmem>>
          %dma_wait3A_75 = arith.constant 0 : i32
          %dma_wait3A_76 = arith.constant 0 : i32
          %dma_wait3A_77 = tpu.memref_slice %arg13[%dma_wait3A_75, %dma_wait3A_76] : memref<10000x16xf32, #tpu.memory_space<vmem_shared>> -> memref<10000x16xf32, #tpu.memory_space<vmem_shared>>
          tpu.wait_indirect_dma semaphore(%run_scoped3A_61 : memref<!tpu.dma_semaphore, #tpu.memory_space<semaphore_mem>>) src(%dma_wait3A_71 : memref<128x16xf32, #tpu.memory_space<vmem>>) dst(%dma_wait3A_77 : memref<10000x16xf32, #tpu.memory_space<vmem_shared>>)
          tpu.yield
        }) : () -> ()
        %run_scoped3A_59 = arith.constant 1 : i32
        "tpu.region"() ({
          %run_scoped3A_61 = tpu.sem_alloc : memref<!tpu.dma_semaphore, #tpu.memory_space<semaphore_mem>>
          %dma_start3A = arith.constant 128 : i32
          %dma_start3A_62 = arith.constant 0 : i32
          %dma_start3A_63 = tpu.memref_slice %arg10[%dma_start3A, %dma_start3A_62] : memref<256x128xf32, #tpu.memory_space<vmem>> -> memref<128x128xf32, #tpu.memory_space<vmem>>
          %dma_start3A_64 = arith.constant 0 : i32
          %dma_start3A_65 = tpu.memref_slice %arg9[%run_scoped3A_59, %dma_start3A_64] : memref<2x128xi32, #tpu.memory_space<vmem>> -> memref<1x128xi32, #tpu.memory_space<vmem>>
          %dma_start3A_66 = tpu.memref_squeeze %dma_start3A_65 : memref<1x128xi32, #tpu.memory_space<vmem>> -> memref<128xi32, #tpu.memory_space<vmem>>
          %dma_start3A_67 = arith.constant 0 : i32
          %dma_start3A_68 = arith.constant 0 : i32
          %dma_start3A_69 = tpu.memref_slice %arg12[%dma_start3A_67, %dma_start3A_68] : memref<10000x128xf32, #tpu.memory_space<vmem_shared>> -> memref<10000x128xf32, #tpu.memory_space<vmem_shared>>
          tpu.enqueue_indirect_dma source(%dma_start3A_63 : memref<128x128xf32, #tpu.memory_space<vmem>>) target(%dma_start3A_69 : memref<10000x128xf32, #tpu.memory_space<vmem_shared>>) offsets(%dma_start3A_66 : memref<128xi32, #tpu.memory_space<vmem>>) semaphore(%run_scoped3A_61 : memref<!tpu.dma_semaphore, #tpu.memory_space<semaphore_mem>>) {add = true}
          %dma_wait3A = arith.constant 128 : i32
          %dma_wait3A_70 = arith.constant 0 : i32
          %dma_wait3A_71 = tpu.memref_slice %arg10[%dma_wait3A, %dma_wait3A_70] : memref<256x128xf32, #tpu.memory_space<vmem>> -> memref<128x128xf32, #tpu.memory_space<vmem>>
          %dma_wait3A_72 = arith.constant 0 : i32
          %dma_wait3A_73 = tpu.memref_slice %arg9[%run_scoped3A_59, %dma_wait3A_72] : memref<2x128xi32, #tpu.memory_space<vmem>> -> memref<1x128xi32, #tpu.memory_space<vmem>>
          %dma_wait3A_74 = tpu.memref_squeeze %dma_wait3A_73 : memref<1x128xi32, #tpu.memory_space<vmem>> -> memref<128xi32, #tpu.memory_space<vmem>>
          %dma_wait3A_75 = arith.constant 0 : i32
          %dma_wait3A_76 = arith.constant 0 : i32
          %dma_wait3A_77 = tpu.memref_slice %arg12[%dma_wait3A_75, %dma_wait3A_76] : memref<10000x128xf32, #tpu.memory_space<vmem_shared>> -> memref<10000x128xf32, #tpu.memory_space<vmem_shared>>
          tpu.wait_indirect_dma semaphore(%run_scoped3A_61 : memref<!tpu.dma_semaphore, #tpu.memory_space<semaphore_mem>>) src(%dma_wait3A_71 : memref<128x128xf32, #tpu.memory_space<vmem>>) dst(%dma_wait3A_77 : memref<10000x128xf32, #tpu.memory_space<vmem_shared>>)
          tpu.yield
        }) : () -> ()
        %run_scoped3A_60 = arith.constant 1 : i32
        "tpu.region"() ({
          %run_scoped3A_61 = tpu.sem_alloc : memref<!tpu.dma_semaphore, #tpu.memory_space<semaphore_mem>>
          %dma_start3A = arith.constant 128 : i32
          %dma_start3A_62 = arith.constant 0 : i32
          %dma_start3A_63 = tpu.memref_slice %arg11[%dma_start3A, %dma_start3A_62] : memref<256x16xf32, #tpu.memory_space<vmem>> -> memref<128x16xf32, #tpu.memory_space<vmem>>
          %dma_start3A_64 = arith.constant 0 : i32
          %dma_start3A_65 = tpu.memref_slice %arg9[%run_scoped3A_60, %dma_start3A_64] : memref<2x128xi32, #tpu.memory_space<vmem>> -> memref<1x128xi32, #tpu.memory_space<vmem>>
          %dma_start3A_66 = tpu.memref_squeeze %dma_start3A_65 : memref<1x128xi32, #tpu.memory_space<vmem>> -> memref<128xi32, #tpu.memory_space<vmem>>
          %dma_start3A_67 = arith.constant 0 : i32
          %dma_start3A_68 = arith.constant 0 : i32
          %dma_start3A_69 = tpu.memref_slice %arg13[%dma_start3A_67, %dma_start3A_68] : memref<10000x16xf32, #tpu.memory_space<vmem_shared>> -> memref<10000x16xf32, #tpu.memory_space<vmem_shared>>
          tpu.enqueue_indirect_dma source(%dma_start3A_63 : memref<128x16xf32, #tpu.memory_space<vmem>>) target(%dma_start3A_69 : memref<10000x16xf32, #tpu.memory_space<vmem_shared>>) offsets(%dma_start3A_66 : memref<128xi32, #tpu.memory_space<vmem>>) semaphore(%run_scoped3A_61 : memref<!tpu.dma_semaphore, #tpu.memory_space<semaphore_mem>>) {add = true}
          %dma_wait3A = arith.constant 128 : i32
          %dma_wait3A_70 = arith.constant 0 : i32
          %dma_wait3A_71 = tpu.memref_slice %arg11[%dma_wait3A, %dma_wait3A_70] : memref<256x16xf32, #tpu.memory_space<vmem>> -> memref<128x16xf32, #tpu.memory_space<vmem>>
          %dma_wait3A_72 = arith.constant 0 : i32
          %dma_wait3A_73 = tpu.memref_slice %arg9[%run_scoped3A_60, %dma_wait3A_72] : memref<2x128xi32, #tpu.memory_space<vmem>> -> memref<1x128xi32, #tpu.memory_space<vmem>>
          %dma_wait3A_74 = tpu.memref_squeeze %dma_wait3A_73 : memref<1x128xi32, #tpu.memory_space<vmem>> -> memref<128xi32, #tpu.memory_space<vmem>>
          %dma_wait3A_75 = arith.constant 0 : i32
          %dma_wait3A_76 = arith.constant 0 : i32
          %dma_wait3A_77 = tpu.memref_slice %arg13[%dma_wait3A_75, %dma_wait3A_76] : memref<10000x16xf32, #tpu.memory_space<vmem_shared>> -> memref<10000x16xf32, #tpu.memory_space<vmem_shared>>
          tpu.wait_indirect_dma semaphore(%run_scoped3A_61 : memref<!tpu.dma_semaphore, #tpu.memory_space<semaphore_mem>>) src(%dma_wait3A_71 : memref<128x16xf32, #tpu.memory_space<vmem>>) dst(%dma_wait3A_77 : memref<10000x16xf32, #tpu.memory_space<vmem_shared>>)
          tpu.yield
        }) : () -> ()
      } else {
      }
    }
    %scan3A_21 = arith.constant 40 : i32
    %barrier3A_22 = arith.constant 0 : index
    tpu.barrier barrier_id(%barrier3A_22)
    %lt3A_23 = arith.constant 15 : i32
    %lt3A_24 = arith.cmpi slt, %arg1, %lt3A_23 : i32
    %convert_element_type3A_25 = arith.extui %lt3A_24 : i1 to i32
    %cond3A_26 = arith.constant 0 : i32
    %cond3A_27 = arith.cmpi ne, %convert_element_type3A_25, %cond3A_26 : i32
    scf.if %cond3A_27 {
      %mul3A_43 = arith.constant 632 : i32
      %mul3A_44 = arith.muli %arg1, %mul3A_43 : i32
      %mul3A_45 = arith.constant 632 : i32
      %mul3A_46 = arith.muli %arg1, %mul3A_45 : i32
      "tpu.region"() ({
        %run_scoped3A = tpu.sem_alloc : memref<!tpu.dma_semaphore, #tpu.memory_space<semaphore_mem>>
        %dma_start3A = arith.constant 0 : i32
        %dma_start3A_47 = arith.constant 0 : i32
        %dma_start3A_48 = tpu.memref_slice %arg7[%arg0, %dma_start3A, %dma_start3A_47] : memref<2x10000x128xf32, #tpu.memory_space<hbm>> -> memref<1x10000x128xf32, #tpu.memory_space<hbm>>
        %dma_start3A_49 = tpu.memref_squeeze %dma_start3A_48 : memref<1x10000x128xf32, #tpu.memory_space<hbm>> -> memref<10000x128xf32, #tpu.memory_space<hbm>>
        %dma_start3A_50 = arith.constant 0 : i32
        %dma_start3A_51 = tpu.memref_slice %dma_start3A_49[%mul3A_46, %dma_start3A_50] : memref<10000x128xf32, #tpu.memory_space<hbm>> -> memref<632x128xf32, #tpu.memory_space<hbm>>
        %dma_start3A_52 = arith.constant 0 : i32
        %dma_start3A_53 = tpu.memref_slice %arg12[%mul3A_44, %dma_start3A_52] : memref<10000x128xf32, #tpu.memory_space<vmem_shared>> -> memref<632x128xf32, #tpu.memory_space<vmem_shared>>
        tpu.enqueue_dma source(%dma_start3A_53 : memref<632x128xf32, #tpu.memory_space<vmem_shared>>) target(%dma_start3A_51 : memref<632x128xf32, #tpu.memory_space<hbm>>) target_semaphore(%run_scoped3A : memref<!tpu.dma_semaphore, #tpu.memory_space<semaphore_mem>>)
        %dma_wait3A = arith.constant 0 : i32
        %dma_wait3A_54 = arith.constant 0 : i32
        %dma_wait3A_55 = tpu.memref_slice %arg7[%arg0, %dma_wait3A, %dma_wait3A_54] : memref<2x10000x128xf32, #tpu.memory_space<hbm>> -> memref<1x10000x128xf32, #tpu.memory_space<hbm>>
        %dma_wait3A_56 = tpu.memref_squeeze %dma_wait3A_55 : memref<1x10000x128xf32, #tpu.memory_space<hbm>> -> memref<10000x128xf32, #tpu.memory_space<hbm>>
        %dma_wait3A_57 = arith.constant 0 : i32
        %dma_wait3A_58 = tpu.memref_slice %dma_wait3A_56[%mul3A_46, %dma_wait3A_57] : memref<10000x128xf32, #tpu.memory_space<hbm>> -> memref<632x128xf32, #tpu.memory_space<hbm>>
        %dma_wait3A_59 = arith.constant 0 : i32
        %dma_wait3A_60 = tpu.memref_slice %arg12[%mul3A_44, %dma_wait3A_59] : memref<10000x128xf32, #tpu.memory_space<vmem_shared>> -> memref<632x128xf32, #tpu.memory_space<vmem_shared>>
        tpu.wait_dma2 semaphore(%run_scoped3A : memref<!tpu.dma_semaphore, #tpu.memory_space<semaphore_mem>>) src(%dma_wait3A_60 : memref<632x128xf32, #tpu.memory_space<vmem_shared>>) dst(%dma_wait3A_58 : memref<632x128xf32, #tpu.memory_space<hbm>>)
        tpu.yield
      }) : () -> ()
    } else {
    }
    %eq3A_28 = arith.constant 15 : i32
    %eq3A_29 = arith.cmpi eq, %arg1, %eq3A_28 : i32
    %convert_element_type3A_30 = arith.extui %eq3A_29 : i1 to i32
    %cond3A_31 = arith.constant 0 : i32
    %cond3A_32 = arith.cmpi ne, %convert_element_type3A_30, %cond3A_31 : i32
    scf.if %cond3A_32 {
      "tpu.region"() ({
        %run_scoped3A = tpu.sem_alloc : memref<!tpu.dma_semaphore, #tpu.memory_space<semaphore_mem>>
        %dma_start3A = arith.constant 0 : i32
        %dma_start3A_43 = arith.constant 0 : i32
        %dma_start3A_44 = tpu.memref_slice %arg7[%arg0, %dma_start3A, %dma_start3A_43] : memref<2x10000x128xf32, #tpu.memory_space<hbm>> -> memref<1x10000x128xf32, #tpu.memory_space<hbm>>
        %dma_start3A_45 = tpu.memref_squeeze %dma_start3A_44 : memref<1x10000x128xf32, #tpu.memory_space<hbm>> -> memref<10000x128xf32, #tpu.memory_space<hbm>>
        %dma_start3A_46 = arith.constant 9480 : i32
        %dma_start3A_47 = arith.constant 0 : i32
        %dma_start3A_48 = tpu.memref_slice %dma_start3A_45[%dma_start3A_46, %dma_start3A_47] : memref<10000x128xf32, #tpu.memory_space<hbm>> -> memref<520x128xf32, #tpu.memory_space<hbm>>
        %dma_start3A_49 = arith.constant 9480 : i32
        %dma_start3A_50 = arith.constant 0 : i32
        %dma_start3A_51 = tpu.memref_slice %arg12[%dma_start3A_49, %dma_start3A_50] : memref<10000x128xf32, #tpu.memory_space<vmem_shared>> -> memref<520x128xf32, #tpu.memory_space<vmem_shared>>
        tpu.enqueue_dma source(%dma_start3A_51 : memref<520x128xf32, #tpu.memory_space<vmem_shared>>) target(%dma_start3A_48 : memref<520x128xf32, #tpu.memory_space<hbm>>) target_semaphore(%run_scoped3A : memref<!tpu.dma_semaphore, #tpu.memory_space<semaphore_mem>>)
        %dma_wait3A = arith.constant 0 : i32
        %dma_wait3A_52 = arith.constant 0 : i32
        %dma_wait3A_53 = tpu.memref_slice %arg7[%arg0, %dma_wait3A, %dma_wait3A_52] : memref<2x10000x128xf32, #tpu.memory_space<hbm>> -> memref<1x10000x128xf32, #tpu.memory_space<hbm>>
        %dma_wait3A_54 = tpu.memref_squeeze %dma_wait3A_53 : memref<1x10000x128xf32, #tpu.memory_space<hbm>> -> memref<10000x128xf32, #tpu.memory_space<hbm>>
        %dma_wait3A_55 = arith.constant 9480 : i32
        %dma_wait3A_56 = arith.constant 0 : i32
        %dma_wait3A_57 = tpu.memref_slice %dma_wait3A_54[%dma_wait3A_55, %dma_wait3A_56] : memref<10000x128xf32, #tpu.memory_space<hbm>> -> memref<520x128xf32, #tpu.memory_space<hbm>>
        %dma_wait3A_58 = arith.constant 9480 : i32
        %dma_wait3A_59 = arith.constant 0 : i32
        %dma_wait3A_60 = tpu.memref_slice %arg12[%dma_wait3A_58, %dma_wait3A_59] : memref<10000x128xf32, #tpu.memory_space<vmem_shared>> -> memref<520x128xf32, #tpu.memory_space<vmem_shared>>
        tpu.wait_dma2 semaphore(%run_scoped3A : memref<!tpu.dma_semaphore, #tpu.memory_space<semaphore_mem>>) src(%dma_wait3A_60 : memref<520x128xf32, #tpu.memory_space<vmem_shared>>) dst(%dma_wait3A_57 : memref<520x128xf32, #tpu.memory_space<hbm>>)
        tpu.yield
      }) : () -> ()
    } else {
    }
    %lt3A_33 = arith.constant 15 : i32
    %lt3A_34 = arith.cmpi slt, %arg1, %lt3A_33 : i32
    %convert_element_type3A_35 = arith.extui %lt3A_34 : i1 to i32
    %cond3A_36 = arith.constant 0 : i32
    %cond3A_37 = arith.cmpi ne, %convert_element_type3A_35, %cond3A_36 : i32
    scf.if %cond3A_37 {
      %mul3A_43 = arith.constant 632 : i32
      %mul3A_44 = arith.muli %arg1, %mul3A_43 : i32
      %mul3A_45 = arith.constant 632 : i32
      %mul3A_46 = arith.muli %arg1, %mul3A_45 : i32
      "tpu.region"() ({
        %run_scoped3A = tpu.sem_alloc : memref<!tpu.dma_semaphore, #tpu.memory_space<semaphore_mem>>
        %dma_start3A = arith.constant 0 : i32
        %dma_start3A_47 = arith.constant 0 : i32
        %dma_start3A_48 = tpu.memref_slice %arg8[%arg0, %dma_start3A, %dma_start3A_47] : memref<2x10000x16xf32, #tpu.memory_space<hbm>> -> memref<1x10000x16xf32, #tpu.memory_space<hbm>>
        %dma_start3A_49 = tpu.memref_squeeze %dma_start3A_48 : memref<1x10000x16xf32, #tpu.memory_space<hbm>> -> memref<10000x16xf32, #tpu.memory_space<hbm>>
        %dma_start3A_50 = arith.constant 0 : i32
        %dma_start3A_51 = tpu.memref_slice %dma_start3A_49[%mul3A_46, %dma_start3A_50] : memref<10000x16xf32, #tpu.memory_space<hbm>> -> memref<632x16xf32, #tpu.memory_space<hbm>>
        %dma_start3A_52 = arith.constant 0 : i32
        %dma_start3A_53 = tpu.memref_slice %arg13[%mul3A_44, %dma_start3A_52] : memref<10000x16xf32, #tpu.memory_space<vmem_shared>> -> memref<632x16xf32, #tpu.memory_space<vmem_shared>>
        tpu.enqueue_dma source(%dma_start3A_53 : memref<632x16xf32, #tpu.memory_space<vmem_shared>>) target(%dma_start3A_51 : memref<632x16xf32, #tpu.memory_space<hbm>>) target_semaphore(%run_scoped3A : memref<!tpu.dma_semaphore, #tpu.memory_space<semaphore_mem>>)
        %dma_wait3A = arith.constant 0 : i32
        %dma_wait3A_54 = arith.constant 0 : i32
        %dma_wait3A_55 = tpu.memref_slice %arg8[%arg0, %dma_wait3A, %dma_wait3A_54] : memref<2x10000x16xf32, #tpu.memory_space<hbm>> -> memref<1x10000x16xf32, #tpu.memory_space<hbm>>
        %dma_wait3A_56 = tpu.memref_squeeze %dma_wait3A_55 : memref<1x10000x16xf32, #tpu.memory_space<hbm>> -> memref<10000x16xf32, #tpu.memory_space<hbm>>
        %dma_wait3A_57 = arith.constant 0 : i32
        %dma_wait3A_58 = tpu.memref_slice %dma_wait3A_56[%mul3A_46, %dma_wait3A_57] : memref<10000x16xf32, #tpu.memory_space<hbm>> -> memref<632x16xf32, #tpu.memory_space<hbm>>
        %dma_wait3A_59 = arith.constant 0 : i32
        %dma_wait3A_60 = tpu.memref_slice %arg13[%mul3A_44, %dma_wait3A_59] : memref<10000x16xf32, #tpu.memory_space<vmem_shared>> -> memref<632x16xf32, #tpu.memory_space<vmem_shared>>
        tpu.wait_dma2 semaphore(%run_scoped3A : memref<!tpu.dma_semaphore, #tpu.memory_space<semaphore_mem>>) src(%dma_wait3A_60 : memref<632x16xf32, #tpu.memory_space<vmem_shared>>) dst(%dma_wait3A_58 : memref<632x16xf32, #tpu.memory_space<hbm>>)
        tpu.yield
      }) : () -> ()
    } else {
    }
    %eq3A_38 = arith.constant 15 : i32
    %eq3A_39 = arith.cmpi eq, %arg1, %eq3A_38 : i32
    %convert_element_type3A_40 = arith.extui %eq3A_39 : i1 to i32
    %cond3A_41 = arith.constant 0 : i32
    %cond3A_42 = arith.cmpi ne, %convert_element_type3A_40, %cond3A_41 : i32
    scf.if %cond3A_42 {
      "tpu.region"() ({
        %run_scoped3A = tpu.sem_alloc : memref<!tpu.dma_semaphore, #tpu.memory_space<semaphore_mem>>
        %dma_start3A = arith.constant 0 : i32
        %dma_start3A_43 = arith.constant 0 : i32
        %dma_start3A_44 = tpu.memref_slice %arg8[%arg0, %dma_start3A, %dma_start3A_43] : memref<2x10000x16xf32, #tpu.memory_space<hbm>> -> memref<1x10000x16xf32, #tpu.memory_space<hbm>>
        %dma_start3A_45 = tpu.memref_squeeze %dma_start3A_44 : memref<1x10000x16xf32, #tpu.memory_space<hbm>> -> memref<10000x16xf32, #tpu.memory_space<hbm>>
        %dma_start3A_46 = arith.constant 9480 : i32
        %dma_start3A_47 = arith.constant 0 : i32
        %dma_start3A_48 = tpu.memref_slice %dma_start3A_45[%dma_start3A_46, %dma_start3A_47] : memref<10000x16xf32, #tpu.memory_space<hbm>> -> memref<520x16xf32, #tpu.memory_space<hbm>>
        %dma_start3A_49 = arith.constant 9480 : i32
        %dma_start3A_50 = arith.constant 0 : i32
        %dma_start3A_51 = tpu.memref_slice %arg13[%dma_start3A_49, %dma_start3A_50] : memref<10000x16xf32, #tpu.memory_space<vmem_shared>> -> memref<520x16xf32, #tpu.memory_space<vmem_shared>>
        tpu.enqueue_dma source(%dma_start3A_51 : memref<520x16xf32, #tpu.memory_space<vmem_shared>>) target(%dma_start3A_48 : memref<520x16xf32, #tpu.memory_space<hbm>>) target_semaphore(%run_scoped3A : memref<!tpu.dma_semaphore, #tpu.memory_space<semaphore_mem>>)
        %dma_wait3A = arith.constant 0 : i32
        %dma_wait3A_52 = arith.constant 0 : i32
        %dma_wait3A_53 = tpu.memref_slice %arg8[%arg0, %dma_wait3A, %dma_wait3A_52] : memref<2x10000x16xf32, #tpu.memory_space<hbm>> -> memref<1x10000x16xf32, #tpu.memory_space<hbm>>
        %dma_wait3A_54 = tpu.memref_squeeze %dma_wait3A_53 : memref<1x10000x16xf32, #tpu.memory_space<hbm>> -> memref<10000x16xf32, #tpu.memory_space<hbm>>
        %dma_wait3A_55 = arith.constant 9480 : i32
        %dma_wait3A_56 = arith.constant 0 : i32
        %dma_wait3A_57 = tpu.memref_slice %dma_wait3A_54[%dma_wait3A_55, %dma_wait3A_56] : memref<10000x16xf32, #tpu.memory_space<hbm>> -> memref<520x16xf32, #tpu.memory_space<hbm>>
        %dma_wait3A_58 = arith.constant 9480 : i32
        %dma_wait3A_59 = arith.constant 0 : i32
        %dma_wait3A_60 = tpu.memref_slice %arg13[%dma_wait3A_58, %dma_wait3A_59] : memref<10000x16xf32, #tpu.memory_space<vmem_shared>> -> memref<520x16xf32, #tpu.memory_space<vmem_shared>>
        tpu.wait_dma2 semaphore(%run_scoped3A : memref<!tpu.dma_semaphore, #tpu.memory_space<semaphore_mem>>) src(%dma_wait3A_60 : memref<520x16xf32, #tpu.memory_space<vmem_shared>>) dst(%dma_wait3A_57 : memref<520x16xf32, #tpu.memory_space<hbm>>)
        tpu.yield
      }) : () -> ()
    } else {
    }
    return
  }
}

module attributes {stable_mosaic.version = 14 : i64} {
  func.func @_pre_body(%arg0: i32, %arg1: memref<256x128xf32, #tpu.memory_space<vmem>>, %arg2: memref<128x128xf32, #tpu.memory_space<vmem>>, %arg3: memref<128x128xf32, #tpu.memory_space<vmem>>, %arg4: memref<1x128xf32, #tpu.memory_space<vmem>>, %arg5: memref<256x128xf32, #tpu.memory_space<vmem>>, %arg6: memref<256x128xf32, #tpu.memory_space<vmem>>) attributes {dimension_semantics = [#tpu.dimension_semantics<arbitrary>], iteration_bounds = array<i64: 40>, scalar_prefetch = 0 : i64, scratch_operands = 0 : i64, tpu.core_type = #tpu.core_type<tc>, window_params = [{transform_indices = @transform_0, window_bounds = array<i64: 256, 128>}, {pipeline_mode = #tpu.pipeline_mode<synchronous>, transform_indices = @transform_1, window_bounds = array<i64: 128, 128>}, {pipeline_mode = #tpu.pipeline_mode<synchronous>, transform_indices = @transform_2, window_bounds = array<i64: 128, 128>}, {pipeline_mode = #tpu.pipeline_mode<synchronous>, transform_indices = @transform_3, window_bounds = array<i64: 1, 128>}, {transform_indices = @transform_4, window_bounds = array<i64: 256, 128>}, {transform_indices = @transform_5, window_bounds = array<i64: 256, 128>}]} {
    %get3A = arith.constant 0 : index
    %get3A_0 = arith.constant 0 : index
    %get3A_1 = vector.load %arg1[%get3A, %get3A_0] : memref<256x128xf32, #tpu.memory_space<vmem>>, vector<256x128xf32>
    %get3A_2 = arith.constant 0 : index
    %get3A_3 = arith.constant 0 : index
    %get3A_4 = vector.load %arg2[%get3A_2, %get3A_3] : memref<128x128xf32, #tpu.memory_space<vmem>>, vector<128x128xf32>
    %dot_general3A = arith.constant dense<0.000000e+00> : vector<256x128xf32>
    %dot_general3A_5 = tpu.matmul %get3A_1, %get3A_4, %dot_general3A {dimension_numbers = #tpu.dot_dimension_numbers<[1], [0], [0], [1], [0, 0, 1, 1], [], []>, transpose_lhs_hint = false} : vector<256x128xf32>, vector<128x128xf32>, vector<256x128xf32> -> vector<256x128xf32>
    %swap3A = arith.constant 0 : index
    %swap3A_6 = arith.constant 0 : index
    %swap3A_7 = vector.load %arg5[%swap3A, %swap3A_6] : memref<256x128xf32, #tpu.memory_space<vmem>>, vector<256x128xf32>
    tpu.vector_store %arg5[%swap3A, %swap3A_6], %dot_general3A_5 {strides = array<i32>} : memref<256x128xf32, #tpu.memory_space<vmem>>, vector<256x128xf32>,
    %get3A_8 = arith.constant 0 : index
    %get3A_9 = arith.constant 0 : index
    %get3A_10 = vector.load %arg3[%get3A_8, %get3A_9] : memref<128x128xf32, #tpu.memory_space<vmem>>, vector<128x128xf32>
    %dot_general3A_11 = arith.constant dense<0.000000e+00> : vector<256x128xf32>
    %dot_general3A_12 = tpu.matmul %get3A_1, %get3A_10, %dot_general3A_11 {dimension_numbers = #tpu.dot_dimension_numbers<[1], [0], [0], [1], [0, 0, 1, 1], [], []>, transpose_lhs_hint = false} : vector<256x128xf32>, vector<128x128xf32>, vector<256x128xf32> -> vector<256x128xf32>
    %get3A_13 = arith.constant 0 : index
    %get3A_14 = arith.constant 0 : index
    %get3A_15 = vector.load %arg4[%get3A_13, %get3A_14] : memref<1x128xf32, #tpu.memory_space<vmem>>, vector<1x128xf32>
    %add3A = vector.broadcast %get3A_15 : vector<1x128xf32> to vector<256x128xf32>
    %add3A_16 = arith.addf %dot_general3A_12, %add3A : vector<256x128xf32>
    %swap3A_17 = arith.constant 0 : index
    %swap3A_18 = arith.constant 0 : index
    %swap3A_19 = vector.load %arg6[%swap3A_17, %swap3A_18] : memref<256x128xf32, #tpu.memory_space<vmem>>, vector<256x128xf32>
    tpu.vector_store %arg6[%swap3A_17, %swap3A_18], %add3A_16 {strides = array<i32>} : memref<256x128xf32, #tpu.memory_space<vmem>>, vector<256x128xf32>,
    return
  }
  func.func @transform_0(%arg0: i32) -> (i32, i32) {
    %c0_i32 = arith.constant 0 : i32
    %c0_i32_0 = arith.constant 0 : i32
    return %arg0, %c0_i32 : i32, i32
  }
  func.func @transform_1(%arg0: i32) -> (i32, i32) {
    %c0_i32 = arith.constant 0 : i32
    %c0_i32_0 = arith.constant 0 : i32
    %c0_i32_1 = arith.constant 0 : i32
    return %c0_i32, %c0_i32_0 : i32, i32
  }
  func.func @transform_2(%arg0: i32) -> (i32, i32) {
    %c0_i32 = arith.constant 0 : i32
    %c0_i32_0 = arith.constant 0 : i32
    %c0_i32_1 = arith.constant 0 : i32
    return %c0_i32, %c0_i32_0 : i32, i32
  }
  func.func @transform_3(%arg0: i32) -> (i32, i32) {
    %c0_i32 = arith.constant 0 : i32
    %c0_i32_0 = arith.constant 0 : i32
    %c0_i32_1 = arith.constant 0 : i32
    return %c0_i32, %c0_i32_0 : i32, i32
  }
  func.func @transform_4(%arg0: i32) -> (i32, i32) {
    %c0_i32 = arith.constant 0 : i32
    %c0_i32_0 = arith.constant 0 : i32
    return %arg0, %c0_i32 : i32, i32
  }
  func.func @transform_5(%arg0: i32) -> (i32, i32) {
    %c0_i32 = arith.constant 0 : i32
    %c0_i32_0 = arith.constant 0 : i32
    return %arg0, %c0_i32 : i32, i32
  }
}

module attributes {stable_mosaic.version = 14 : i64} {
  func.func @_edge_body(%arg0: i32, %arg1: memref<512x128xf32, #tpu.memory_space<vmem>>, %arg2: memref<512x16xf32, #tpu.memory_space<vmem>>, %arg3: memref<1x128xf32, #tpu.memory_space<vmem>>, %arg4: memref<128x128xf32, #tpu.memory_space<vmem>>, %arg5: memref<1x128xf32, #tpu.memory_space<vmem>>, %arg6: memref<1x128xf32, #tpu.memory_space<vmem>>, %arg7: memref<1x1xf32, #tpu.memory_space<vmem>>, %arg8: memref<128x128xf32, #tpu.memory_space<vmem>>, %arg9: memref<1x128xf32, #tpu.memory_space<vmem>>, %arg10: memref<1x128xf32, #tpu.memory_space<vmem>>, %arg11: memref<512x128xf32, #tpu.memory_space<vmem>>, %arg12: memref<512x16xf32, #tpu.memory_space<vmem>>) attributes {dimension_semantics = [#tpu.dimension_semantics<arbitrary>], iteration_bounds = array<i64: 625>, scalar_prefetch = 0 : i64, scratch_operands = 0 : i64, tpu.core_type = #tpu.core_type<tc>, window_params = [{transform_indices = @transform_0, window_bounds = array<i64: 512, 128>}, {transform_indices = @transform_1, window_bounds = array<i64: 512, 16>}, {pipeline_mode = #tpu.pipeline_mode<synchronous>, transform_indices = @transform_2, window_bounds = array<i64: 1, 128>}, {pipeline_mode = #tpu.pipeline_mode<synchronous>, transform_indices = @transform_3, window_bounds = array<i64: 128, 128>}, {pipeline_mode = #tpu.pipeline_mode<synchronous>, transform_indices = @transform_4, window_bounds = array<i64: 1, 128>}, {pipeline_mode = #tpu.pipeline_mode<synchronous>, transform_indices = @transform_5, window_bounds = array<i64: 1, 128>}, {pipeline_mode = #tpu.pipeline_mode<synchronous>, transform_indices = @transform_6, window_bounds = array<i64: 1, 1>}, {pipeline_mode = #tpu.pipeline_mode<synchronous>, transform_indices = @transform_7, window_bounds = array<i64: 128, 128>}, {pipeline_mode = #tpu.pipeline_mode<synchronous>, transform_indices = @transform_8, window_bounds = array<i64: 1, 128>}, {pipeline_mode = #tpu.pipeline_mode<synchronous>, transform_indices = @transform_9, window_bounds = array<i64: 1, 128>}, {transform_indices = @transform_10, window_bounds = array<i64: 512, 128>}, {transform_indices = @transform_11, window_bounds = array<i64: 512, 16>}]} {
    %get3A = arith.constant 0 : index
    %get3A_0 = arith.constant 0 : index
    %get3A_1 = vector.load %arg2[%get3A, %get3A_0] : memref<512x16xf32, #tpu.memory_space<vmem>>, vector<512x16xf32>
    %mul3A = arith.mulf %get3A_1, %get3A_1 : vector<512x16xf32>
    %reduce_sum3A = arith.constant dense<0.000000e+00> : vector<512xf32>
    %reduce_sum3A_2 = vector.multi_reduction <add>, %mul3A, %reduce_sum3A [1] : vector<512x16xf32> to vector<512xf32>
    %broadcast_in_dim3A = vector.shape_cast %reduce_sum3A_2 : vector<512xf32> to vector<512x1xf32>
    %get3A_3 = arith.constant 0 : index
    %get3A_4 = arith.constant 0 : index
    %get3A_5 = vector.load %arg1[%get3A_3, %get3A_4] : memref<512x128xf32, #tpu.memory_space<vmem>>, vector<512x128xf32>
    %get3A_6 = arith.constant 0 : index
    %get3A_7 = arith.constant 0 : index
    %get3A_8 = vector.load %arg3[%get3A_6, %get3A_7] : memref<1x128xf32, #tpu.memory_space<vmem>>, vector<1x128xf32>
    %mul3A_9 = vector.broadcast %broadcast_in_dim3A : vector<512x1xf32> to vector<512x128xf32>
    %mul3A_10 = vector.broadcast %get3A_8 : vector<1x128xf32> to vector<512x128xf32>
    %mul3A_11 = arith.mulf %mul3A_9, %mul3A_10 : vector<512x128xf32>
    %add3A = arith.addf %get3A_5, %mul3A_11 : vector<512x128xf32>
    %logistic3A = arith.negf %add3A : vector<512x128xf32>
    %logistic3A_12 = math.exp %logistic3A : vector<512x128xf32>
    %logistic3A_13 = arith.constant 1.000000e+00 : f32
    %logistic3A_14 = vector.broadcast %logistic3A_13 : f32 to vector<512x128xf32>
    %logistic3A_15 = arith.addf %logistic3A_14, %logistic3A_12 : vector<512x128xf32>
    %logistic3A_16 = arith.divf %logistic3A_14, %logistic3A_15 : vector<512x128xf32>
    %mul3A_17 = arith.mulf %add3A, %logistic3A_16 : vector<512x128xf32>
    %get3A_18 = arith.constant 0 : index
    %get3A_19 = arith.constant 0 : index
    %get3A_20 = vector.load %arg4[%get3A_18, %get3A_19] : memref<128x128xf32, #tpu.memory_space<vmem>>, vector<128x128xf32>
    %dot_general3A = arith.constant dense<0.000000e+00> : vector<512x128xf32>
    %dot_general3A_21 = tpu.matmul %mul3A_17, %get3A_20, %dot_general3A {dimension_numbers = #tpu.dot_dimension_numbers<[1], [0], [0], [1], [0, 0, 1, 1], [], []>, transpose_lhs_hint = false} : vector<512x128xf32>, vector<128x128xf32>, vector<512x128xf32> -> vector<512x128xf32>
    %get3A_22 = arith.constant 0 : index
    %get3A_23 = arith.constant 0 : index
    %get3A_24 = vector.load %arg5[%get3A_22, %get3A_23] : memref<1x128xf32, #tpu.memory_space<vmem>>, vector<1x128xf32>
    %add3A_25 = vector.broadcast %get3A_24 : vector<1x128xf32> to vector<512x128xf32>
    %add3A_26 = arith.addf %dot_general3A_21, %add3A_25 : vector<512x128xf32>
    %logistic3A_27 = arith.negf %add3A_26 : vector<512x128xf32>
    %logistic3A_28 = math.exp %logistic3A_27 : vector<512x128xf32>
    %logistic3A_29 = arith.constant 1.000000e+00 : f32
    %logistic3A_30 = vector.broadcast %logistic3A_29 : f32 to vector<512x128xf32>
    %logistic3A_31 = arith.addf %logistic3A_30, %logistic3A_28 : vector<512x128xf32>
    %logistic3A_32 = arith.divf %logistic3A_30, %logistic3A_31 : vector<512x128xf32>
    %mul3A_33 = arith.mulf %add3A_26, %logistic3A_32 : vector<512x128xf32>
    %get3A_34 = arith.constant 0 : index
    %get3A_35 = arith.constant 0 : index
    %get3A_36 = vector.load %arg6[%get3A_34, %get3A_35] : memref<1x128xf32, #tpu.memory_space<vmem>>, vector<1x128xf32>
    %mul3A_37 = vector.broadcast %get3A_36 : vector<1x128xf32> to vector<512x128xf32>
    %mul3A_38 = arith.mulf %mul3A_33, %mul3A_37 : vector<512x128xf32>
    %reduce_sum3A_39 = arith.constant dense<0.000000e+00> : vector<512xf32>
    %reduce_sum3A_40 = vector.multi_reduction <add>, %mul3A_38, %reduce_sum3A_39 [1] : vector<512x128xf32> to vector<512xf32>
    %broadcast_in_dim3A_41 = vector.shape_cast %reduce_sum3A_40 : vector<512xf32> to vector<512x1xf32>
    %get3A_42 = arith.constant 0 : index
    %get3A_43 = arith.constant 0 : index
    %get3A_44 = vector.load %arg7[%get3A_42, %get3A_43] : memref<1x1xf32, #tpu.memory_space<vmem>>, vector<1x1xf32>
    %get3A_45 = vector.extract %get3A_44[0, 0] : f32 from vector<1x1xf32>
    %add3A_46 = vector.broadcast %get3A_45 : f32 to vector<512x1xf32>
    %add3A_47 = arith.addf %broadcast_in_dim3A_41, %add3A_46 : vector<512x1xf32>
    %logistic3A_48 = arith.negf %add3A_47 : vector<512x1xf32>
    %logistic3A_49 = math.exp %logistic3A_48 : vector<512x1xf32>
    %logistic3A_50 = arith.constant 1.000000e+00 : f32
    %logistic3A_51 = vector.broadcast %logistic3A_50 : f32 to vector<512x1xf32>
    %logistic3A_52 = arith.addf %logistic3A_51, %logistic3A_49 : vector<512x1xf32>
    %logistic3A_53 = arith.divf %logistic3A_51, %logistic3A_52 : vector<512x1xf32>
    %mul3A_54 = vector.broadcast %logistic3A_53 : vector<512x1xf32> to vector<512x128xf32>
    %mul3A_55 = arith.mulf %mul3A_33, %mul3A_54 : vector<512x128xf32>
    %get3A_56 = arith.constant 0 : index
    %get3A_57 = arith.constant 0 : index
    %get3A_58 = vector.load %arg8[%get3A_56, %get3A_57] : memref<128x128xf32, #tpu.memory_space<vmem>>, vector<128x128xf32>
    %dot_general3A_59 = arith.constant dense<0.000000e+00> : vector<512x128xf32>
    %dot_general3A_60 = tpu.matmul %mul3A_55, %get3A_58, %dot_general3A_59 {dimension_numbers = #tpu.dot_dimension_numbers<[1], [0], [0], [1], [0, 0, 1, 1], [], []>, transpose_lhs_hint = false} : vector<512x128xf32>, vector<128x128xf32>, vector<512x128xf32> -> vector<512x128xf32>
    %get3A_61 = arith.constant 0 : index
    %get3A_62 = arith.constant 0 : index
    %get3A_63 = vector.load %arg9[%get3A_61, %get3A_62] : memref<1x128xf32, #tpu.memory_space<vmem>>, vector<1x128xf32>
    %add3A_64 = vector.broadcast %get3A_63 : vector<1x128xf32> to vector<512x128xf32>
    %add3A_65 = arith.addf %dot_general3A_60, %add3A_64 : vector<512x128xf32>
    %logistic3A_66 = arith.negf %add3A_65 : vector<512x128xf32>
    %logistic3A_67 = math.exp %logistic3A_66 : vector<512x128xf32>
    %logistic3A_68 = arith.constant 1.000000e+00 : f32
    %logistic3A_69 = vector.broadcast %logistic3A_68 : f32 to vector<512x128xf32>
    %logistic3A_70 = arith.addf %logistic3A_69, %logistic3A_67 : vector<512x128xf32>
    %logistic3A_71 = arith.divf %logistic3A_69, %logistic3A_70 : vector<512x128xf32>
    %mul3A_72 = arith.mulf %add3A_65, %logistic3A_71 : vector<512x128xf32>
    %get3A_73 = arith.constant 0 : index
    %get3A_74 = arith.constant 0 : index
    %get3A_75 = vector.load %arg10[%get3A_73, %get3A_74] : memref<1x128xf32, #tpu.memory_space<vmem>>, vector<1x128xf32>
    %mul3A_76 = vector.broadcast %get3A_75 : vector<1x128xf32> to vector<512x128xf32>
    %mul3A_77 = arith.mulf %mul3A_72, %mul3A_76 : vector<512x128xf32>
    %reduce_sum3A_78 = arith.constant dense<0.000000e+00> : vector<512xf32>
    %reduce_sum3A_79 = vector.multi_reduction <add>, %mul3A_77, %reduce_sum3A_78 [1] : vector<512x128xf32> to vector<512xf32>
    %broadcast_in_dim3A_80 = vector.shape_cast %reduce_sum3A_79 : vector<512xf32> to vector<512x1xf32>
    %swap3A = arith.constant 0 : index
    %swap3A_81 = arith.constant 0 : index
    %swap3A_82 = vector.load %arg11[%swap3A, %swap3A_81] : memref<512x128xf32, #tpu.memory_space<vmem>>, vector<512x128xf32>
    tpu.vector_store %arg11[%swap3A, %swap3A_81], %mul3A_55 {strides = array<i32>} : memref<512x128xf32, #tpu.memory_space<vmem>>, vector<512x128xf32>,
    %mul3A_83 = vector.broadcast %broadcast_in_dim3A_80 : vector<512x1xf32> to vector<512x16xf32>
    %mul3A_84 = arith.mulf %get3A_1, %mul3A_83 : vector<512x16xf32>
    %swap3A_85 = arith.constant 0 : index
    %swap3A_86 = arith.constant 0 : index
    %swap3A_87 = vector.load %arg12[%swap3A_85, %swap3A_86] : memref<512x16xf32, #tpu.memory_space<vmem>>, vector<512x16xf32>
    tpu.vector_store %arg12[%swap3A_85, %swap3A_86], %mul3A_84 {strides = array<i32>} : memref<512x16xf32, #tpu.memory_space<vmem>>, vector<512x16xf32>,
    return
  }
  func.func @transform_0(%arg0: i32) -> (i32, i32) {
    %c0_i32 = arith.constant 0 : i32
    %c0_i32_0 = arith.constant 0 : i32
    return %arg0, %c0_i32 : i32, i32
  }
  func.func @transform_1(%arg0: i32) -> (i32, i32) {
    %c0_i32 = arith.constant 0 : i32
    %c0_i32_0 = arith.constant 0 : i32
    return %arg0, %c0_i32 : i32, i32
  }
  func.func @transform_2(%arg0: i32) -> (i32, i32) {
    %c0_i32 = arith.constant 0 : i32
    %c0_i32_0 = arith.constant 0 : i32
    %c0_i32_1 = arith.constant 0 : i32
    return %c0_i32, %c0_i32_0 : i32, i32
  }
  func.func @transform_3(%arg0: i32) -> (i32, i32) {
    %c0_i32 = arith.constant 0 : i32
    %c0_i32_0 = arith.constant 0 : i32
    %c0_i32_1 = arith.constant 0 : i32
    return %c0_i32, %c0_i32_0 : i32, i32
  }
  func.func @transform_4(%arg0: i32) -> (i32, i32) {
    %c0_i32 = arith.constant 0 : i32
    %c0_i32_0 = arith.constant 0 : i32
    %c0_i32_1 = arith.constant 0 : i32
    return %c0_i32, %c0_i32_0 : i32, i32
  }
  func.func @transform_5(%arg0: i32) -> (i32, i32) {
    %c0_i32 = arith.constant 0 : i32
    %c0_i32_0 = arith.constant 0 : i32
    %c0_i32_1 = arith.constant 0 : i32
    return %c0_i32, %c0_i32_0 : i32, i32
  }
  func.func @transform_6(%arg0: i32) -> (i32, i32) {
    %c0_i32 = arith.constant 0 : i32
    %c0_i32_0 = arith.constant 0 : i32
    %c0_i32_1 = arith.constant 0 : i32
    return %c0_i32, %c0_i32_0 : i32, i32
  }
  func.func @transform_7(%arg0: i32) -> (i32, i32) {
    %c0_i32 = arith.constant 0 : i32
    %c0_i32_0 = arith.constant 0 : i32
    %c0_i32_1 = arith.constant 0 : i32
    return %c0_i32, %c0_i32_0 : i32, i32
  }
  func.func @transform_8(%arg0: i32) -> (i32, i32) {
    %c0_i32 = arith.constant 0 : i32
    %c0_i32_0 = arith.constant 0 : i32
    %c0_i32_1 = arith.constant 0 : i32
    return %c0_i32, %c0_i32_0 : i32, i32
  }
  func.func @transform_9(%arg0: i32) -> (i32, i32) {
    %c0_i32 = arith.constant 0 : i32
    %c0_i32_0 = arith.constant 0 : i32
    %c0_i32_1 = arith.constant 0 : i32
    return %c0_i32, %c0_i32_0 : i32, i32
  }
  func.func @transform_10(%arg0: i32) -> (i32, i32) {
    %c0_i32 = arith.constant 0 : i32
    %c0_i32_0 = arith.constant 0 : i32
    return %arg0, %c0_i32 : i32, i32
  }
  func.func @transform_11(%arg0: i32) -> (i32, i32) {
    %c0_i32 = arith.constant 0 : i32
    %c0_i32_0 = arith.constant 0 : i32
    return %arg0, %c0_i32 : i32, i32
  }
}

module attributes {stable_mosaic.version = 14 : i64} {
  func.func @_node_body(%arg0: i32, %arg1: memref<256x128xf32, #tpu.memory_space<vmem>>, %arg2: memref<2x256x128xf32, #tpu.memory_space<vmem>>, %arg3: memref<2x256x16xf32, #tpu.memory_space<vmem>>, %arg4: memref<256x16xf32, #tpu.memory_space<vmem>>, %arg5: memref<128x128xf32, #tpu.memory_space<vmem>>, %arg6: memref<128x128xf32, #tpu.memory_space<vmem>>, %arg7: memref<1x128xf32, #tpu.memory_space<vmem>>, %arg8: memref<128x128xf32, #tpu.memory_space<vmem>>, %arg9: memref<1x128xf32, #tpu.memory_space<vmem>>, %arg10: memref<256x128xf32, #tpu.memory_space<vmem>>, %arg11: memref<256x16xf32, #tpu.memory_space<vmem>>) attributes {dimension_semantics = [#tpu.dimension_semantics<arbitrary>], iteration_bounds = array<i64: 40>, scalar_prefetch = 0 : i64, scratch_operands = 0 : i64, tpu.core_type = #tpu.core_type<tc>, window_params = [{transform_indices = @transform_0, window_bounds = array<i64: 256, 128>}, {transform_indices = @transform_1, window_bounds = array<i64: 2, 256, 128>}, {transform_indices = @transform_2, window_bounds = array<i64: 2, 256, 16>}, {transform_indices = @transform_3, window_bounds = array<i64: 256, 16>}, {pipeline_mode = #tpu.pipeline_mode<synchronous>, transform_indices = @transform_4, window_bounds = array<i64: 128, 128>}, {pipeline_mode = #tpu.pipeline_mode<synchronous>, transform_indices = @transform_5, window_bounds = array<i64: 128, 128>}, {pipeline_mode = #tpu.pipeline_mode<synchronous>, transform_indices = @transform_6, window_bounds = array<i64: 1, 128>}, {pipeline_mode = #tpu.pipeline_mode<synchronous>, transform_indices = @transform_7, window_bounds = array<i64: 128, 128>}, {pipeline_mode = #tpu.pipeline_mode<synchronous>, transform_indices = @transform_8, window_bounds = array<i64: 1, 128>}, {transform_indices = @transform_9, window_bounds = array<i64: 256, 128>}, {transform_indices = @transform_10, window_bounds = array<i64: 256, 16>}]} {
    %get3A = arith.constant 0 : index
    %get3A_0 = arith.constant 0 : index
    %get3A_1 = vector.load %arg1[%get3A, %get3A_0] : memref<256x128xf32, #tpu.memory_space<vmem>>, vector<256x128xf32>
    %get3A_2 = arith.constant 0 : index
    %get3A_3 = arith.constant 0 : index
    %get3A_4 = arith.constant 0 : index
    %get3A_5 = vector.load %arg2[%get3A_2, %get3A_3, %get3A_4] : memref<2x256x128xf32, #tpu.memory_space<vmem>>, vector<1x256x128xf32>
    %get3A_6 = vector.shape_cast %get3A_5 : vector<1x256x128xf32> to vector<256x128xf32>
    %get3A_7 = arith.constant 1 : index
    %get3A_8 = arith.constant 0 : index
    %get3A_9 = arith.constant 0 : index
    %get3A_10 = vector.load %arg2[%get3A_7, %get3A_8, %get3A_9] : memref<2x256x128xf32, #tpu.memory_space<vmem>>, vector<1x256x128xf32>
    %get3A_11 = vector.shape_cast %get3A_10 : vector<1x256x128xf32> to vector<256x128xf32>
    %add3A = arith.addf %get3A_6, %get3A_11 : vector<256x128xf32>
    %get3A_12 = arith.constant 0 : index
    %get3A_13 = arith.constant 0 : index
    %get3A_14 = vector.load %arg5[%get3A_12, %get3A_13] : memref<128x128xf32, #tpu.memory_space<vmem>>, vector<128x128xf32>
    %dot_general3A = arith.constant dense<0.000000e+00> : vector<256x128xf32>
    %dot_general3A_15 = tpu.matmul %get3A_1, %get3A_14, %dot_general3A {dimension_numbers = #tpu.dot_dimension_numbers<[1], [0], [0], [1], [0, 0, 1, 1], [], []>, transpose_lhs_hint = false} : vector<256x128xf32>, vector<128x128xf32>, vector<256x128xf32> -> vector<256x128xf32>
    %get3A_16 = arith.constant 0 : index
    %get3A_17 = arith.constant 0 : index
    %get3A_18 = vector.load %arg6[%get3A_16, %get3A_17] : memref<128x128xf32, #tpu.memory_space<vmem>>, vector<128x128xf32>
    %dot_general3A_19 = arith.constant dense<0.000000e+00> : vector<256x128xf32>
    %dot_general3A_20 = tpu.matmul %add3A, %get3A_18, %dot_general3A_19 {dimension_numbers = #tpu.dot_dimension_numbers<[1], [0], [0], [1], [0, 0, 1, 1], [], []>, transpose_lhs_hint = false} : vector<256x128xf32>, vector<128x128xf32>, vector<256x128xf32> -> vector<256x128xf32>
    %add3A_21 = arith.addf %dot_general3A_15, %dot_general3A_20 : vector<256x128xf32>
    %get3A_22 = arith.constant 0 : index
    %get3A_23 = arith.constant 0 : index
    %get3A_24 = vector.load %arg7[%get3A_22, %get3A_23] : memref<1x128xf32, #tpu.memory_space<vmem>>, vector<1x128xf32>
    %add3A_25 = vector.broadcast %get3A_24 : vector<1x128xf32> to vector<256x128xf32>
    %add3A_26 = arith.addf %add3A_21, %add3A_25 : vector<256x128xf32>
    %logistic3A = arith.negf %add3A_26 : vector<256x128xf32>
    %logistic3A_27 = math.exp %logistic3A : vector<256x128xf32>
    %logistic3A_28 = arith.constant 1.000000e+00 : f32
    %logistic3A_29 = vector.broadcast %logistic3A_28 : f32 to vector<256x128xf32>
    %logistic3A_30 = arith.addf %logistic3A_29, %logistic3A_27 : vector<256x128xf32>
    %logistic3A_31 = arith.divf %logistic3A_29, %logistic3A_30 : vector<256x128xf32>
    %mul3A = arith.mulf %add3A_26, %logistic3A_31 : vector<256x128xf32>
    %get3A_32 = arith.constant 0 : index
    %get3A_33 = arith.constant 0 : index
    %get3A_34 = vector.load %arg8[%get3A_32, %get3A_33] : memref<128x128xf32, #tpu.memory_space<vmem>>, vector<128x128xf32>
    %dot_general3A_35 = arith.constant dense<0.000000e+00> : vector<256x128xf32>
    %dot_general3A_36 = tpu.matmul %mul3A, %get3A_34, %dot_general3A_35 {dimension_numbers = #tpu.dot_dimension_numbers<[1], [0], [0], [1], [0, 0, 1, 1], [], []>, transpose_lhs_hint = false} : vector<256x128xf32>, vector<128x128xf32>, vector<256x128xf32> -> vector<256x128xf32>
    %get3A_37 = arith.constant 0 : index
    %get3A_38 = arith.constant 0 : index
    %get3A_39 = vector.load %arg9[%get3A_37, %get3A_38] : memref<1x128xf32, #tpu.memory_space<vmem>>, vector<1x128xf32>
    %add3A_40 = vector.broadcast %get3A_39 : vector<1x128xf32> to vector<256x128xf32>
    %add3A_41 = arith.addf %dot_general3A_36, %add3A_40 : vector<256x128xf32>
    %add3A_42 = arith.addf %add3A_41, %get3A_1 : vector<256x128xf32>
    %swap3A = arith.constant 0 : index
    %swap3A_43 = arith.constant 0 : index
    %swap3A_44 = vector.load %arg10[%swap3A, %swap3A_43] : memref<256x128xf32, #tpu.memory_space<vmem>>, vector<256x128xf32>
    tpu.vector_store %arg10[%swap3A, %swap3A_43], %add3A_42 {strides = array<i32>} : memref<256x128xf32, #tpu.memory_space<vmem>>, vector<256x128xf32>,
    %get3A_45 = arith.constant 0 : index
    %get3A_46 = arith.constant 0 : index
    %get3A_47 = vector.load %arg4[%get3A_45, %get3A_46] : memref<256x16xf32, #tpu.memory_space<vmem>>, vector<256x16xf32>
    %get3A_48 = arith.constant 0 : index
    %get3A_49 = arith.constant 0 : index
    %get3A_50 = arith.constant 0 : index
    %get3A_51 = vector.load %arg3[%get3A_48, %get3A_49, %get3A_50] : memref<2x256x16xf32, #tpu.memory_space<vmem>>, vector<1x256x16xf32>
    %get3A_52 = vector.shape_cast %get3A_51 : vector<1x256x16xf32> to vector<256x16xf32>
    %add3A_53 = arith.addf %get3A_47, %get3A_52 : vector<256x16xf32>
    %get3A_54 = arith.constant 1 : index
    %get3A_55 = arith.constant 0 : index
    %get3A_56 = arith.constant 0 : index
    %get3A_57 = vector.load %arg3[%get3A_54, %get3A_55, %get3A_56] : memref<2x256x16xf32, #tpu.memory_space<vmem>>, vector<1x256x16xf32>
    %get3A_58 = vector.shape_cast %get3A_57 : vector<1x256x16xf32> to vector<256x16xf32>
    %add3A_59 = arith.addf %add3A_53, %get3A_58 : vector<256x16xf32>
    %swap3A_60 = arith.constant 0 : index
    %swap3A_61 = arith.constant 0 : index
    %swap3A_62 = vector.load %arg11[%swap3A_60, %swap3A_61] : memref<256x16xf32, #tpu.memory_space<vmem>>, vector<256x16xf32>
    tpu.vector_store %arg11[%swap3A_60, %swap3A_61], %add3A_59 {strides = array<i32>} : memref<256x16xf32, #tpu.memory_space<vmem>>, vector<256x16xf32>,
    return
  }
  func.func @transform_0(%arg0: i32) -> (i32, i32) {
    %c0_i32 = arith.constant 0 : i32
    %c0_i32_0 = arith.constant 0 : i32
    return %arg0, %c0_i32 : i32, i32
  }
  func.func @transform_1(%arg0: i32) -> (i32, i32, i32) {
    %c0_i32 = arith.constant 0 : i32
    %c0_i32_0 = arith.constant 0 : i32
    %c0_i32_1 = arith.constant 0 : i32
    return %c0_i32, %arg0, %c0_i32_0 : i32, i32, i32
  }
  func.func @transform_2(%arg0: i32) -> (i32, i32, i32) {
    %c0_i32 = arith.constant 0 : i32
    %c0_i32_0 = arith.constant 0 : i32
    %c0_i32_1 = arith.constant 0 : i32
    return %c0_i32, %arg0, %c0_i32_0 : i32, i32, i32
  }
  func.func @transform_3(%arg0: i32) -> (i32, i32) {
    %c0_i32 = arith.constant 0 : i32
    %c0_i32_0 = arith.constant 0 : i32
    return %arg0, %c0_i32 : i32, i32
  }
  func.func @transform_4(%arg0: i32) -> (i32, i32) {
    %c0_i32 = arith.constant 0 : i32
    %c0_i32_0 = arith.constant 0 : i32
    %c0_i32_1 = arith.constant 0 : i32
    return %c0_i32, %c0_i32_0 : i32, i32
  }
  func.func @transform_5(%arg0: i32) -> (i32, i32) {
    %c0_i32 = arith.constant 0 : i32
    %c0_i32_0 = arith.constant 0 : i32
    %c0_i32_1 = arith.constant 0 : i32
    return %c0_i32, %c0_i32_0 : i32, i32
  }
  func.func @transform_6(%arg0: i32) -> (i32, i32) {
    %c0_i32 = arith.constant 0 : i32
    %c0_i32_0 = arith.constant 0 : i32
    %c0_i32_1 = arith.constant 0 : i32
    return %c0_i32, %c0_i32_0 : i32, i32
  }
  func.func @transform_7(%arg0: i32) -> (i32, i32) {
    %c0_i32 = arith.constant 0 : i32
    %c0_i32_0 = arith.constant 0 : i32
    %c0_i32_1 = arith.constant 0 : i32
    return %c0_i32, %c0_i32_0 : i32, i32
  }
  func.func @transform_8(%arg0: i32) -> (i32, i32) {
    %c0_i32 = arith.constant 0 : i32
    %c0_i32_0 = arith.constant 0 : i32
    %c0_i32_1 = arith.constant 0 : i32
    return %c0_i32, %c0_i32_0 : i32, i32
  }
  func.func @transform_9(%arg0: i32) -> (i32, i32) {
    %c0_i32 = arith.constant 0 : i32
    %c0_i32_0 = arith.constant 0 : i32
    return %arg0, %c0_i32 : i32, i32
  }
  func.func @transform_10(%arg0: i32) -> (i32, i32) {
    %c0_i32 = arith.constant 0 : i32
    %c0_i32_0 = arith.constant 0 : i32
    return %arg0, %c0_i32 : i32, i32
  }
}

</mosaic_0001>

<sc_bundles>
// kernel: kernel.10.cloned.1.call-start
scs
__scs_entry_jumppad:
0x0: {  	(pc) =	sbr.rel $0x88, $3  }
0x1: {  	(tag) =	ssettag $0x0;
	lr =	simm.s32 $0x1  }
0x2: {  	[smem:$0x3F91] =	sst lr;
	_ =	strace $0xD0000000  }
0x3: {  	_ = 	snop  }
0x4: {  	_ = 	snop  }
0x5: {  	_ = 	snop  }
0x6: {  	_ = 	snop  }
0x7: {  	_ = 	snop  }
__scs_overlays_trampoline_lowered:
0x8: {  	[smem:$0x3FA0] =	sst s0  }
0x9: {  	[smem:$0x3FA1] =	sst s1  }
0xa: {  	[smem:$0x3FA2] =	sst s2  }
0xb: {  	[smem:$0x3FA3] =	sst s3  }
0xc: {  	[smem:$0x3FA4] =	sst s4  }
0xd: {  	[smem:$0x3FA5] =	sst s5  }
0xe: {  	[smem:$0x3FA6] =	sst s6  }
0xf: {  	[smem:$0x3FA7] =	sst s7  }
0x10: {  	[smem:$0x3FA8] =	sst s8  }
0x11: {  	[smem:$0x3FA9] =	sst s9;
	s0 =	simm.s32 @!p0 $0x0  }
0x12: {  	s1 =	sld [smem:$0x3F8F];
	s0 =	simm.s32 @p0 $0x1  }
0x13: {  	[smem:$0x3FAA] =	sst s0;
	s0 =	simm.s32 @!p1 $0x0  }
0x14: {  	s2 =	sld [smem:$0x3F8E];
	s0 =	simm.s32 @p1 $0x1  }
0x15: {  	[smem:$0x3FAB] =	sst s0;
	s0 =	simm.s32 @!p2 $0x0  }
0x16: {  	s3 =	sld [smem:$0x3FDB];
	s0 =	simm.s32 @p2 $0x1  }
0x17: {  	s4 =	simm.s32 $0x1BF5;
	[smem:$0x3FAD] =	sst s0  }
0x18: {  	s0 =	sld [smem:$0x3F90];
	_ =	swait.ge [sflag:s4], $0x0  }
0x19: {  	s7 =	sld [smem:$0x3F91]  }
0x1a: {  	s8 =	sadd.s32 $0xFFFFE003, lr  }
0x1b: {  	s9 =	sadd.s32 $0xFFFFFEF7, lr;
	s5 =	simm.s32 $0xFFFFFFFF;
	p2 =	slt.u32 s8, $0xFFFFF086  }
0x1c: {  	p1 =	slt.u32 s9, $0xF7A;
	s5 =	simm.s32 @!p2 $0x0  }
0x1d: {  	s5 =	simm.s32 @p1 $0x1;
	p0 =	seq.s32 s7, s2  }
0x1e: {  	s7 =	smul.u32 @!p0 $0xF7A, s2;
	p2 =	seq.s32 @!p0 s5, $0x0  }
0x1f: {  	s9 =	smul.u32 $0xF7A, s1;
	s8 =	simm.s32 @!p0 $0x1BF5;
	p2 =	por !p2, p0  }
0x20: {  	[sflag:s8] =	ssyncset.s32 @!p0 $0xFFFFF086;
	s6 =	sadd.s32 @!p0 s3, s7;
	s7 =	simm.s32 @!p0 $0x108  }
0x21: {  	s3 =	sadd.s32 s3, s9;
	s6 =	sadd.s32 @!p0 $0x88, s6;
	s7 =	simm.s32 @p2 $0x1082  }
0x22: {  	[simem:s7], [sflag:s8] =	dma.local @!p0 [hbm:s6], $0xF7A  }
0x23: {  	s9 =	sor.u32 $0xD0000000, s2;
	s6 =	simm.s32 $0x108;
	_ =	swait.ge @!p0 [sflag:s8], $0x0  }
0x24: {  	s3 =	sadd.s32 $0x88, s3;
	s6 =	simm.s32 @!p1 $0x1082;
	[sflag:s4] =	ssyncset.s32 $0xFFFFF086  }
0x25: {  	[simem:s6], [sflag:s4] =	dma.local [hbm:s3], $0xF7A  }
0x26: {  	[smem:$0x3F91] =	sst s1;
	(tag) =	ssettag s2;
	_ =	strace s9  }
0x27: {  	s1 =	sld [smem:$0x3FA1]  }
0x28: {  	s2 =	sld [smem:$0x3FA2]  }
0x29: {  	s4 =	sld [smem:$0x3FA4]  }
0x2a: {  	p0 =	seq.s32 s5, $0x0;
	s5 =	sld [smem:$0x3FA5]  }
0x2b: {  	s6 =	sld [smem:$0x3FA6]  }
0x2c: {  	s7 =	sld [smem:$0x3FA7]  }
0x2d: {  	s3 =	simm.s32 $0x108;
	s8 =	sld [smem:$0x3FA8]  }
0x2e: {  	s3 =	simm.s32 @!p0 $0x1082;
	s9 =	sld [smem:$0x3FA9]  }
0x2f: {  	lr =	sadd.s32 s0, s3;
	s0 =	sld [smem:$0x3FA0]  }
0x30: {  	s3 =	sld [smem:$0x3FA3]  }
0x31: {  	[smem:$0x3FAC] =	sst s10  }
0x32: {  	s10 =	sld [smem:$0x3FAA];
	_ =	sdelay $0x3  }
0x33: {  	p0 =	seq.s32 s10, $0x1;
	s10 =	sld [smem:$0x3FAC];
	_ =	sdelay $0x3  }
0x34: {  	[smem:$0x3FAC] =	sst s10  }
0x35: {  	s10 =	sld [smem:$0x3FAB];
	_ =	sdelay $0x3  }
0x36: {  	p1 =	seq.s32 s10, $0x1;
	s10 =	sld [smem:$0x3FAC];
	_ =	sdelay $0x3  }
0x37: {  	[smem:$0x3FAC] =	sst s10  }
0x38: {  	s10 =	sld [smem:$0x3FAD]  }
0x39: {  	_ = 	snop;
	(pc) =	sbr.ind lr, $3  }
0x3a: {  	_ = 	snop  }
0x3b: {  	_ = 	snop  }
0x3c: {  	p2 =	seq.s32 s10, $0x1;
	s10 =	sld [smem:$0x3FAC]  }
0x3d: {  	_ =	shalt  }
0x3e: {  	_ =	shalt  }
0x3f: {  	_ =	shalt  }
0x40: {  	_ =	shalt  }
0x41: {  	_ =	shalt  }
0x42: {  	_ =	shalt  }
0x43: {  	_ =	shalt  }
0x44: {  	_ =	shalt  }
0x45: {  	_ =	shalt  }
0x46: {  	_ =	shalt  }
0x47: {  	_ =	shalt  }
0x48: {  	_ =	shalt  }
0x49: {  	_ =	shalt  }
0x4a: {  	_ =	shalt  }
0x4b: {  	_ =	shalt  }
0x4c: {  	_ =	shalt  }
0x4d: {  	_ =	shalt  }
0x4e: {  	_ =	shalt  }
0x4f: {  	_ =	shalt  }
0x50: {  	_ =	shalt  }
0x51: {  	_ =	shalt  }
0x52: {  	_ =	shalt  }
0x53: {  	_ =	shalt  }
0x54: {  	_ =	shalt  }
0x55: {  	_ =	shalt  }
0x56: {  	_ =	shalt  }
0x57: {  	_ =	shalt  }
0x58: {  	_ =	shalt  }
0x59: {  	_ =	shalt  }
0x5a: {  	_ =	shalt  }
0x5b: {  	_ =	shalt  }
0x5c: {  	_ =	shalt  }
0x5d: {  	_ =	shalt  }
0x5e: {  	_ =	shalt  }
0x5f: {  	_ =	shalt  }
0x60: {  	_ =	shalt  }
0x61: {  	_ =	shalt  }
0x62: {  	_ =	shalt  }
0x63: {  	_ =	shalt  }
0x64: {  	_ =	shalt  }
0x65: {  	_ =	shalt  }
0x66: {  	_ =	shalt  }
0x67: {  	_ =	shalt  }
0x68: {  	_ =	shalt  }
0x69: {  	_ =	shalt  }
0x6a: {  	_ =	shalt  }
0x6b: {  	_ =	shalt  }
0x6c: {  	_ =	shalt  }
0x6d: {  	_ =	shalt  }
0x6e: {  	_ =	shalt  }
0x6f: {  	_ =	shalt  }
0x70: {  	_ =	shalt  }
0x71: {  	_ =	shalt  }
0x72: {  	_ =	shalt  }
0x73: {  	_ =	shalt  }
0x74: {  	_ =	shalt  }
0x75: {  	_ =	shalt  }
0x76: {  	_ =	shalt  }
0x77: {  	_ =	shalt  }
0x78: {  	_ =	shalt  }
0x79: {  	_ =	shalt  }
0x7a: {  	_ =	shalt  }
0x7b: {  	_ =	shalt  }
0x7c: {  	_ =	shalt  }
0x7d: {  	_ =	shalt  }
0x7e: {  	_ =	shalt  }
0x7f: {  	_ =	shalt  }
0x80: {  	_ =	shalt  }
0x81: {  	_ =	shalt  }
0x82: {  	_ =	shalt  }
0x83: {  	_ =	shalt  }
0x84: {  	_ =	shalt  }
0x85: {  	_ =	shalt  }
0x86: {  	_ =	shalt  }
0x87: {  	_ =	shalt  }
.Lfunc_end0:
.L_simem_size_0:
called_computation.1_lowered:
.L_overlay_start_0:
0x88: {  	s2 =	sld [smem:$0x3FD9]  }
0x89: {  	s3 =	sld [smem:$0x3FFE];
	_ =	sdelay $0x1  }
0x8a: {  	s1 =	srdreg.scid  }
0x8b: {  	s0 =	sand.u32 $0x1, s1  }
0x8c: {  	s14 =	sshll.u32 s0, $0xA;
	s2 =	sadd.s32 s3, s2  }
0x8d: {  	s2 =	sadd.s32 s2, s14  }
0x8e: {  	[smem:$0x3FB8] =	sst s2  }
0x8f: {  	_ = 	snop  }
0x90: {  	s2 =	sld [smem:$0x3FD0];
	_ =	sdelay $0x2  }
0x91: {  	s15 =	simm.s32 $0xA;
	s4 =	simm.s32 $0x10  }
0x92: {  	[smem:s4], [sflag:s15] =	dma.local [hbm:s2], $0x1  }
0x93: {  	_ =	swait.eq [sflag:s15], $0x1  }
0x94: {  	[sflag:s15] =	ssyncset.done $0x0  }
0x95: {  	[sflag:s15] =	ssyncadd.s32 $0xFFFFFFFF  }
0x96: {  	s16 =	sld [smem:$0x10];
	(tm) =	ssettm $0x1  }
0x97: {  	s17 =	sld [smem:$0x3FFB];
	_ =	sdelay $0x3  }
0x98: {  	_ =	strace s17  }
0x99: {  	s3 =	sld [smem:$0x3FFC];
	_ =	sdelay $0x3  }
0x9a: {  	_ =	strace s3  }
0x9b: {  	s3 =	sld [smem:$0x3FFD];
	_ =	sdelay $0x3  }
0x9c: {  	_ =	strace s3  }
0x9d: {  	_ =	strace $0x8FFFFFFF  }
0x9e: {  	s18 =	sld [smem:$0x3FDB];
	_ =	sdelay $0x1  }
0x9f: {  	s19 =	simm.s32 $_scs_section_size  }
0xa0: {  	s5 =	simm.s32 $_size__tile_overlayer_lowered;
	s6 =	simm.s32 $_tile_overlayer_lowered  }
0xa1: {  	s22 =	simm.s32 $0x1BFF;
	s21 =	sshll.u32 s6, $0x1;
	s3 =	sadd.s32 s19, s18  }
0xa2: {  	s7 =	simm.s32 $0x0;
	s20 =	sshll.u32 s5, $0x1;
	s5 =	sadd.s32 s21, s3  }
0xa3: {  	[timem:s7], [sflag:s22] =	dma.local [hbm:s5], s20  }
0xa4: {  	_ =	swait.ge [sflag:s22], s20  }
0xa5: {  	s4 =	ssub.s32 $0x0, s20;
	[sflag:s22] =	ssyncset.done $0x0  }
0xa6: {  	[sflag:s22] =	ssyncadd.s32 s4;
	_ =	sdelay $0x1  }
0xa7: {  	s23 =	simm.s32 $0x1B8B  }
0xa8: {  	_ =	swait.ge [sflag:s23], $0x1  }
0xa9: {  	[sflag:s23] =	ssyncset.done $0x0  }
0xaa: {  	s25 =	simm.s32 $0x1B8E;
	s24 =	sld [smem:$0x3FFE];
	[sflag:s23] =	ssyncadd.s32 $0xFFFFFFFF  }
0xab: {  	s26 =	simm.s32 $execute0_lowered;
	[smem:$0x3FD2] =	sst s25  }
0xac: {  	s5 =	sshll.u32 s26, $0x1;
	_ =	strace $0x80000049;
	[dreg:$0x1] =	wrdreg $0xFFFFFFFF  }
0xad: {  	s28 =	simm.s32 $_size_execute0_lowered;
	s3 =	sadd.s32 s3, s5;
	[dreg:$0x0] =	wrdreg $0x0  }
0xae: {  	s5 =	sshll.u32 s28, $0x1;
	[dreg:$0x2] =	wrdreg s3  }
0xaf: {  	[dreg:$0x3] =	wrdreg s5  }
0xb0: {  	[dreg:$0x4] =	wrdreg $0xC0  }
0xb1: {  	_ =	task [dreg:s7], $0x5FFFF  }
0xb2: {  	[dreg:$0x1] =	wrdreg $0xFFFFFFFF  }
0xb3: {  	[dreg:$0x0] =	wrdreg $0x60  }
0xb4: {  	[dreg:$0x2] =	wrdreg s24  }
0xb5: {  	[dreg:$0x3] =	wrdreg s16  }
0xb6: {  	[dreg:$0x4] =	wrdreg $0x91000  }
0xb7: {  	[dreg:$0x5] =	wrdreg $0x1C9800  }
0xb8: {  	[dreg:$0x6] =	wrdreg $0x9  }
0xb9: {  	_ =	task.clear_ibuf [dreg:s7], $0x7FFFF;
	_ =	strace $0x90000049  }
0xba: {  	s29 =	simm.s32 $0x9;
	_ =	strace $0x8000004B  }
0xbb: {  	_ =	swait.ge [sflag:s29], $0x1  }
0xbc: {  	[sflag:s29] =	ssyncadd.s32 $0xFFFFFFFF  }
0xbd: {  	_ =	strace $0x9000004B  }
0xbe: {  	_ =	sfence  }
0xbf: {  	s30 =	sld [smem:$0x0];
	_ =	sdelay $0x2  }
0xc0: {  	s31 =	sshll.u32 s1, $0xD;
	s1 =	sshrl.u32 s1, $0x2  }
0xc1: {  	s3 =	sand.u32 $0x4000, s31;
	s1 =	sadd.s32 s1, s30  }
0xc2: {  	s0 =	sor.u32 s3, s0;
	s1 =	sshll.u32 s1, $0x11  }
0xc3: {  	s0 =	sor.u32 s1, s0  }
0xc4: {  	s0 =	sadd.s32 $0x8F2B, s0  }
0xc5: {  	[sflag:s0] =	ssyncadd.remote.s32 $0x1  }
0xc6: {  	_ =	sfence.sel $0xFFFF  }
0xc7: {  	[dreg:$0x0] =	wrdreg $0xFFFFFFFF;
	(pc) =	sbr.abs _section_cstart, $3  }
0xc8: {  	[dreg:$0x1] =	wrdreg $0xFFFFFFFF  }
0xc9: {  	_ =	task.clear_ibuf [dreg:s7], $0x2FFFF;
	_ =	strace $0x9FFFFFFF  }
0xca: {  	(tm) =	ssettm $0x7FFFFFFF  }
0xcb: {  	_ =	shalt  }
tec
execute0_lowered:
.L_overlay_start_1:
0x0: {  	(tag) =	ssettag $0x1  }
0x1: {  	s13 =	rddreg [dreg:$0x0]  }
0x2: {  	s12 =	rddreg [dreg:$0x1]  }
0x3: {  	s1 =	rddreg [dreg:$0x2]  }
0x4: {  	s3 =	rddreg [dreg:$0x3];
	s4 =	simm.s32 $0x0;
	s0 =	stileid.u32  }
0x5: {  	s6 =	srdreg.scid;
	[smem:$0x7FF] =	sst s4  }
0x6: {  	s5 =	sshll.u32 s0, $0xD;
	s28 =	sshll.u32 s0, $0xA;
	s10 =	smul.u32 $0x2780, s0  }
0x7: {  	s7 =	sshll.u32 s0, $0x6;
	s19 =	sand.u32 $0x1, s6;
	s14 =	smul.u32 $0x13C00, s0  }
0x8: {  	s22 =	sadd.s32 $0x128400, s1;
	s23 =	sadd.s32 $0x25080, s3;
	p0 =	seq.s32 s0, $0xF  }
0x9: {  	_ =	strace $0x8000004A;
	s18 =	sadd.s32 s5, s13;
	s6 =	smul.u32 $0x27100, s19  }
0xa: {  	s17 =	sadd.s32 s28, s13;
	s20 =	sadd.s32 s7, s13;
	s29 =	smul.u32 $0x4E20, s19  }
0xb: {  	s8 =	ssub.s32 $0x2, s19;
	s24 =	sshll.u32 s19, $0x9;
	s31 =	sshll.u32 s19, $0xC  }
0xc: {  	s19 =	sshll.u32 s19, $0x5;
	s2 =	sshrl.u32 s10, $0x3;
	s9 =	sshrl.u32 s8, $0x1  }
0xd: {  	s30 =	sadd.s32 s14, s1;
	s10 =	sadd.s32 s10, s3;
	s17 =	sadd.s32 s24, s17  }
0xe: {  	s18 =	sadd.s32 s31, s18;
	s19 =	sadd.s32 s19, s20;
	s24 =	sshll.u32 @!p0 s0, $0x6  }
0xf: {  	s20 =	sshrl.u32 @p0 s22, $0x3;
	[dreg:$0x5] =	wrdreg s2;
	s11 =	sadd.s32 s2, s13  }
0x10: {  	s15 =	sadd.s32 s6, s13;
	s16 =	sadd.s32 s29, s13;
	s21 =	ssub.s32 s8, s9  }
0x11: {  	s6 =	sshll.u32 s0, $0x1;
	[dreg:$0x6] =	wrdreg s30;
	s8 =	sshrl.u32 s14, $0x3  }
0x12: {  	s13 =	sadd.s32 $0x8C10, s13;
	s17 =	sadd.s32 $0x3F000, s17;
	s18 =	sadd.s32 $0xFAD600, s18  }
0x13: {  	s19 =	sadd.s32 $0xE000, s19;
	s22 =	sor.u32 @!p0 $0x1C01, s24;
	s9 =	sadd.s32 s12, s8  }
0x14: {  	s11 =	sadd.s32 $0x4200, s11;
	s12 =	sadd.s32 $0x25080, s12;
	s14 =	sadd.s32 $0xE5200, s15  }
0x15: {  	s15 =	sadd.s32 $0xDB400, s16;
	s16 =	smax.u32 s21, $0x1;
	s21 =	sshrl.u32 @p0 s23, $0x3  }
.LBB2_1:
0x16: {  	s23 =	simm.s32 @p0 $0x1FC1;
	s24 =	simm.s32 @p0 $0x1  }
0x17: {  	[spmem:s20], [sflag:s23] =	dma.local @p0 [hbm:s12], $0x2080  }
0x18: {  	_ =	swait.ge @p0 [sflag:s24], $0x2080  }
0x19: {  	[sflag:s24] =	ssyncset.done @p0 $0x0  }
0x1a: {  	[sflag:s24] =	ssyncadd.s32 @p0 $0xFFFFDF80  }
0x1b: {  	[spmem:s21], [sflag:s23] =	dma.local @p0 [hbm:s13], $0x410  }
0x1c: {  	_ =	swait.ge @p0 [sflag:s24], $0x410  }
0x1d: {  	[sflag:s24] =	ssyncset.done @p0 $0x0;
	s0 =	rddreg [dreg:$0x6]  }
0x1e: {  	s25 =	simm.s32 @!p0 $0x1;
	[sflag:s24] =	ssyncadd.s32 @p0 $0xFFFFFBF0;
	s23 =	sshrl.u32 @!p0 s0, $0x3  }
0x1f: {  	[spmem:s23], [sflag:s22] =	dma.local @!p0 [hbm:s9], $0x2780  }
0x20: {  	_ =	swait.ge @!p0 [sflag:s25], $0x2780  }
0x21: {  	[sflag:s25] =	ssyncset.done @!p0 $0x0  }
0x22: {  	s24 =	sshrl.u32 @!p0 s10, $0x3;
	[sflag:s25] =	ssyncadd.s32 @!p0 $0xFFFFD880  }
0x23: {  	[spmem:s24], [sflag:s22] =	dma.local @!p0 [hbm:s11], $0x4F0  }
0x24: {  	_ =	swait.ge @!p0 [sflag:s25], $0x4F0  }
0x25: {  	s26 =	sadd.s32 $0x0, s6;
	[sflag:s25] =	ssyncset.done @!p0 $0x0  }
0x26: {  	p1 =	sgt.u32 s26, $0x4E1;
	[sflag:s25] =	ssyncadd.s32 @!p0 $0xFFFFFB10  }
0x27: {  	s28 =	simm.s32 @!p1 $0x2;
	s25 =	simm.s32 @!p1 $0x0;
	[bflag:$0x0] =	sbarrier.arrive $0xFFFF  }
0x28: {  	[tilespmem:s25], [sflag:$0x2] =	stream.linear.gather @!p1 [hbm4b:s19+s25], $0x100, $0x38;
	[tilespmem:$0x1F090] =	vst v63  }
0x29: {  	_ =	swait.ge @!p1 [sflag:s28], $0x100  }
0x2a: {  	[sflag:s28] =	ssyncset.done @!p1 $0x0;
	p1 =	por p1, p1  }
0x2b: {  	[sflag:s28] =	ssyncadd.s32 @!p1 $0xFFFFFF00;
	s26 =	simm.s32 @!p1 $0x100  }
0x2c: {  	[tilespmem:s26], [sflag:$0x2] =	stream.linear.gather @!p1 [hbm4b:s18+s25], $0x8000, $0x38;
	[tilespmem:$0x1F090] =	vst v63  }
0x2d: {  	_ =	swait.ge @!p1 [sflag:s28], $0x8000  }
0x2e: {  	[sflag:s28] =	ssyncset.done @!p1 $0x0  }
0x2f: {  	s29 =	simm.s32 @!p1 $0x8100;
	[sflag:s28] =	ssyncadd.s32 @!p1 $0xFFFF8000  }
0x30: {  	[tilespmem:s29], [sflag:$0x2] =	stream.linear.gather @!p1 [hbm4b:s17+s25], $0x1000, $0x38;
	[tilespmem:$0x1F090] =	vst v63  }
0x31: {  	_ =	swait.ge @!p1 [sflag:s28], $0x1000  }
0x32: {  	[sflag:s28] =	ssyncset.done @!p1 $0x0  }
0x33: {  	s31 =	simm.s32 @!p1 $0x80;
	[sflag:s28] =	ssyncadd.s32 @!p1 $0xFFFFF000  }
0x34: {  	[spmem:s1] =	stream.indirect.scatter.add.f32 @!p1 [tilespmem:s26], [sflag:$0x2], $0x80, s25, s31, $0xb8;
	[tilespmem:$0x1F090] =	vst v63  }
0x35: {  	_ =	swait.ge @!p1 [sflag:s28], $0x4000  }
0x36: {  	[sflag:s28] =	ssyncset.done @!p1 $0x0  }
0x37: {  	[sflag:s28] =	ssyncadd.s32 @!p1 $0xFFFFC000  }
0x38: {  	[spmem:s3] =	stream.indirect.scatter.add.f32 @!p1 [tilespmem:s29], [sflag:$0x2], $0x10, s25, s31, $0xb8;
	[tilespmem:$0x1F090] =	vst v63  }
0x39: {  	_ =	swait.ge @!p1 [sflag:s28], $0x800  }
0x3a: {  	[sflag:s28] =	ssyncset.done @!p1 $0x0  }
0x3b: {  	s25 =	simm.s32 @!p1 $0x4100;
	[sflag:s28] =	ssyncadd.s32 @!p1 $0xFFFFF800  }
0x3c: {  	[spmem:s1] =	stream.indirect.scatter.add.f32 @!p1 [tilespmem:s25], [sflag:$0x2], $0x80, s31, s31, $0xb8;
	[tilespmem:$0x1F090] =	vst v63  }
0x3d: {  	_ =	swait.ge @!p1 [sflag:s28], $0x4000  }
0x3e: {  	s30 =	simm.s32 @!p1 $0x1;
	s26 =	sadd.s32 $0x400, s19;
	[sflag:s28] =	ssyncset.done @!p1 $0x0  }
0x3f: {  	s29 =	simm.s32 $0x40;
	s25 =	simm.s32 @!p1 $0x8900;
	[sflag:s28] =	ssyncadd.s32 @!p1 $0xFFFFC000  }
0x40: {  	[spmem:s3] =	stream.indirect.scatter.add.f32 @!p1 [tilespmem:s25], [sflag:$0x1], $0x10, s31, s31, $0xb8;
	[tilespmem:$0x1F090] =	vst v63  }
0x41: {  	s28 =	sadd.s32 $0x20000, s18;
	s31 =	sadd.s32 $0x20, s6;
	_ =	swait.ge @!p1 [sflag:s30], $0x800  }
0x42: {  	s25 =	sadd.s32 $0x4000, s17;
	p3 =	sgt.u32 s31, $0x4E1;
	[sflag:s30] =	ssyncset.done @!p1 $0x0  }
.LBB2_2:
0x43: {  	s31 =	simm.s32 @!p3 $0x0;
	s0 =	simm.s32 @!p3 $0x2;
	[sflag:s30] =	ssyncadd.s32 @!p1 $0xFFFFF800  }
0x44: {  	[tilespmem:s31], [sflag:$0x2] =	stream.linear.gather @!p3 [hbm4b:s26+s31], $0x100, $0x38;
	[tilespmem:$0x1F090] =	vst v63  }
0x45: {  	s2 =	smov.u32 s29;
	s29 =	sadd.s32 $0x20, s29;
	_ =	swait.ge @!p3 [sflag:s0], $0x100  }
0x46: {  	p1 =	por p3, p3;
	p2 =	sne.s32 s29, $0x500;
	[sflag:s0] =	ssyncset.done @!p3 $0x0  }
0x47: {  	s30 =	simm.s32 @!p1 $0x100;
	[sflag:s0] =	ssyncadd.s32 @!p1 $0xFFFFFF00  }
0x48: {  	[tilespmem:s30], [sflag:$0x2] =	stream.linear.gather @!p1 [hbm4b:s28+s31], $0x8000, $0x38;
	[tilespmem:$0x1F090] =	vst v63  }
0x49: {  	_ =	swait.ge @!p1 [sflag:s0], $0x8000  }
0x4a: {  	[sflag:s0] =	ssyncset.done @!p1 $0x0  }
0x4b: {  	s5 =	simm.s32 @!p1 $0x8100;
	[sflag:s0] =	ssyncadd.s32 @!p1 $0xFFFF8000  }
0x4c: {  	[tilespmem:s5], [sflag:$0x2] =	stream.linear.gather @!p1 [hbm4b:s25+s31], $0x1000, $0x38;
	[tilespmem:$0x1F090] =	vst v63  }
0x4d: {  	_ =	swait.ge @!p1 [sflag:s0], $0x1000  }
0x4e: {  	[sflag:s0] =	ssyncset.done @!p1 $0x0  }
0x4f: {  	s7 =	simm.s32 @!p1 $0x80;
	[sflag:s0] =	ssyncadd.s32 @!p1 $0xFFFFF000  }
0x50: {  	[spmem:s1] =	stream.indirect.scatter.add.f32 @!p1 [tilespmem:s30], [sflag:$0x2], $0x80, s31, s7, $0xb8;
	[tilespmem:$0x1F090] =	vst v63  }
0x51: {  	_ =	swait.ge @!p1 [sflag:s0], $0x4000  }
0x52: {  	[sflag:s0] =	ssyncset.done @!p1 $0x0  }
0x53: {  	[sflag:s0] =	ssyncadd.s32 @!p1 $0xFFFFC000  }
0x54: {  	[spmem:s3] =	stream.indirect.scatter.add.f32 @!p1 [tilespmem:s5], [sflag:$0x2], $0x10, s31, s7, $0xb8;
	[tilespmem:$0x1F090] =	vst v63  }
0x55: {  	_ =	swait.ge @!p1 [sflag:s0], $0x800  }
0x56: {  	[sflag:s0] =	ssyncset.done @!p1 $0x0  }
0x57: {  	s5 =	simm.s32 @!p1 $0x4100;
	[sflag:s0] =	ssyncadd.s32 @!p1 $0xFFFFF800  }
0x58: {  	[spmem:s1] =	stream.indirect.scatter.add.f32 @!p1 [tilespmem:s5], [sflag:$0x2], $0x80, s7, s7, $0xb8;
	[tilespmem:$0x1F090] =	vst v63  }
0x59: {  	_ =	swait.ge @!p1 [sflag:s0], $0x4000  }
.Ltmp0:
0x5a: {  	s26 =	sadd.s32 $0x400, s26;
	[sflag:s0] =	ssyncset.done @!p1 $0x0;
	(pc) =	sbr.rel @p2 .LBB2_2-.Ltmp0, $4  }
0x5b: {  	s30 =	simm.s32 @!p1 $0x1;
	[sflag:s0] =	ssyncadd.s32 @!p1 $0xFFFFC000;
	s0 =	simm.s32 @!p1 $0x8900  }
0x5c: {  	[spmem:s3] =	stream.indirect.scatter.add.f32 @!p1 [tilespmem:s0], [sflag:$0x1], $0x10, s7, s7, $0xb8;
	[tilespmem:$0x1F090] =	vst v63  }
0x5d: {  	s28 =	sadd.s32 $0x20000, s28;
	s0 =	sadd.s32 s2, s6;
	_ =	swait.ge @!p1 [sflag:s30], $0x800  }
0x5e: {  	s25 =	sadd.s32 $0x4000, s25;
	p3 =	sgt.u32 s0, $0x4E1;
	[sflag:s30] =	ssyncset.done @!p1 $0x0  }
0x5f: {  	s0 =	simm.s32 @!p3 $0x0;
	s2 =	simm.s32 @!p3 $0x2;
	[sflag:s30] =	ssyncadd.s32 @!p1 $0xFFFFF800  }
0x60: {  	[tilespmem:s0], [sflag:$0x2] =	stream.linear.gather @!p3 [hbm4b:s26+s0], $0x100, $0x38;
	[tilespmem:$0x1F090] =	vst v63  }
0x61: {  	_ =	swait.ge @!p3 [sflag:s2], $0x100  }
0x62: {  	p1 =	por p3, p3;
	[sflag:s2] =	ssyncset.done @!p3 $0x0  }
0x63: {  	s5 =	simm.s32 @!p1 $0x100;
	[sflag:s2] =	ssyncadd.s32 @!p1 $0xFFFFFF00  }
0x64: {  	[tilespmem:s5], [sflag:$0x2] =	stream.linear.gather @!p1 [hbm4b:s28+s0], $0x8000, $0x38;
	[tilespmem:$0x1F090] =	vst v63  }
0x65: {  	_ =	swait.ge @!p1 [sflag:s2], $0x8000  }
0x66: {  	[sflag:s2] =	ssyncset.done @!p1 $0x0  }
0x67: {  	s7 =	simm.s32 @!p1 $0x8100;
	[sflag:s2] =	ssyncadd.s32 @!p1 $0xFFFF8000  }
0x68: {  	[tilespmem:s7], [sflag:$0x2] =	stream.linear.gather @!p1 [hbm4b:s25+s0], $0x1000, $0x38;
	[tilespmem:$0x1F090] =	vst v63  }
0x69: {  	_ =	swait.ge @!p1 [sflag:s2], $0x1000  }
0x6a: {  	[sflag:s2] =	ssyncset.done @!p1 $0x0  }
0x6b: {  	s25 =	simm.s32 @!p1 $0x80;
	[sflag:s2] =	ssyncadd.s32 @!p1 $0xFFFFF000  }
0x6c: {  	[spmem:s1] =	stream.indirect.scatter.add.f32 @!p1 [tilespmem:s5], [sflag:$0x2], $0x80, s0, s25, $0xb8;
	[tilespmem:$0x1F090] =	vst v63  }
0x6d: {  	_ =	swait.ge @!p1 [sflag:s2], $0x4000  }
0x6e: {  	[sflag:s2] =	ssyncset.done @!p1 $0x0  }
0x6f: {  	[sflag:s2] =	ssyncadd.s32 @!p1 $0xFFFFC000  }
0x70: {  	[spmem:s3] =	stream.indirect.scatter.add.f32 @!p1 [tilespmem:s7], [sflag:$0x2], $0x10, s0, s25, $0xb8;
	[tilespmem:$0x1F090] =	vst v63  }
0x71: {  	_ =	swait.ge @!p1 [sflag:s2], $0x800  }
0x72: {  	[sflag:s2] =	ssyncset.done @!p1 $0x0  }
0x73: {  	s0 =	simm.s32 @!p1 $0x4100;
	[sflag:s2] =	ssyncadd.s32 @!p1 $0xFFFFF800  }
0x74: {  	[spmem:s1] =	stream.indirect.scatter.add.f32 @!p1 [tilespmem:s0], [sflag:$0x2], $0x80, s25, s25, $0xb8;
	[tilespmem:$0x1F090] =	vst v63  }
0x75: {  	_ =	swait.ge @!p1 [sflag:s2], $0x4000  }
0x76: {  	[sflag:s2] =	ssyncset.done @!p1 $0x0  }
0x77: {  	s0 =	simm.s32 @!p1 $0x8900;
	[sflag:s2] =	ssyncadd.s32 @!p1 $0xFFFFC000;
	s2 =	simm.s32 @!p1 $0x1  }
0x78: {  	[spmem:s3] =	stream.indirect.scatter.add.f32 @!p1 [tilespmem:s0], [sflag:$0x1], $0x10, s25, s25, $0xb8;
	[tilespmem:$0x1F090] =	vst v63  }
0x79: {  	_ =	swait.ge @!p1 [sflag:s2], $0x800  }
0x7a: {  	[sflag:s2] =	ssyncset.done @!p1 $0x0  }
0x7b: {  	[sflag:s2] =	ssyncadd.s32 @!p1 $0xFFFFF800  }
0x7c: {  	s0 =	sadd.s32 @p0 $0x25080, s14;
	s2 =	simm.s32 @p0 $0x1FC1;
	[bflag:$0x0] =	sbarrier.arrive $0xFFFF  }
0x7d: {  	[hbm:s0], [sflag:s2] =	dma.local @p0 [spmem:s20], $0x2080  }
0x7e: {  	s0 =	simm.s32 @p0 $0x1  }
0x7f: {  	_ =	swait.ge @p0 [sflag:s0], $0x2080  }
0x80: {  	[sflag:s0] =	ssyncset.done @p0 $0x0  }
0x81: {  	s5 =	sadd.s32 @p0 $0x4A10, s15;
	[sflag:s0] =	ssyncadd.s32 @p0 $0xFFFFDF80  }
0x82: {  	[hbm:s5], [sflag:s2] =	dma.local @p0 [spmem:s21], $0x410  }
0x83: {  	_ =	swait.ge @p0 [sflag:s0], $0x410  }
0x84: {  	[sflag:s0] =	ssyncset.done @p0 $0x0  }
0x85: {  	[sflag:s0] =	ssyncadd.s32 @p0 $0xFFFFFBF0;
	s0 =	sadd.s32 @!p0 s8, s14  }
0x86: {  	[hbm:s0], [sflag:s22] =	dma.local @!p0 [spmem:s23], $0x2780  }
0x87: {  	s0 =	simm.s32 @!p0 $0x1  }
0x88: {  	s4 =	sadd.s32 $0x1, s4;
	_ =	swait.ge @!p0 [sflag:s0], $0x2780  }
0x89: {  	p1 =	sne.s32 s4, s16;
	[sflag:s0] =	ssyncset.done @!p0 $0x0;
	s2 =	rddreg [dreg:$0x5]  }
.Ltmp1:
0x8a: {  	[sflag:s0] =	ssyncadd.s32 @!p0 $0xFFFFD880;
	s2 =	sadd.s32 @!p0 s2, s15;
	(pc) =	sbr.rel @p1 .LBB2_1-.Ltmp1, $4  }
0x8b: {  	[hbm:s2], [sflag:s22] =	dma.local @!p0 [spmem:s24], $0x4F0  }
0x8c: {  	_ =	swait.ge @!p0 [sflag:s0], $0x4F0  }
0x8d: {  	[sflag:s0] =	ssyncset.done @!p0 $0x0  }
0x8e: {  	[sflag:s0] =	ssyncadd.s32 @!p0 $0xFFFFFB10  }
0x8f: {  	_ =	sfence.sel $0x180000  }
0x90: {  	[bflag:$0x0] =	sbarrier.arrive $0xFFFF  }
0x91: {  	_ =	strace $0x9000004A  }
0x92: {  	s0 =	stileid.u32;
	[bflag:$0x2] =	sbarrier.arrive $0xFFFF  }
0x93: {  	p0 =	sne.s32 s0, $0x0;
	s0 =	rddreg [dreg:$0x4]  }
0x94: {  	s0 =	sadd.s32 @!p0 $0x100000, s0  }
0x95: {  	[sflag:s0] =	ssyncadd.tile.s32 @!p0 $0x1;
	_ =	shalt  }
.Lfunc_end2:
_tile_overlayer_lowered:
.L_overlay_start_2:
0x96: {  	(tag) =	ssettag $0x2  }
0x97: {  	s0 =	rddreg [dreg:$0x0];
	s2 =	stileid.u32  }
0x98: {  	s1 =	rddreg [dreg:$0x1];
	p0 =	sne.s32 s2, $0x0  }
0x99: {  	s3 =	rddreg [dreg:$0x2];
	[bflag:$0x3] =	sbarrier.arrive $0xFFFF;
	s2 =	simm.s32 @!p0 $0x1C01  }
0x9a: {  	[timem:s3], [sflag:s2] =	dma.local @!p0 [hbm:s0], s1  }
0x9b: {  	s0 =	simm.s32 @!p0 $0x1  }
0x9c: {  	_ =	swait.ge @!p0 [sflag:s0], s1  }
0x9d: {  	s1 =	ssub.s32 @!p0 $0x0, s1;
	[sflag:s0] =	ssyncset.done @!p0 $0x0  }
0x9e: {  	[sflag:s0] =	ssyncadd.s32 @!p0 s1  }
0x9f: {  	[bflag:$0x3] =	sbarrier.arrive $0xFFFF  }
0xa0: {  	_ =	shalt  }

// kernel: kernel.7.cloned.1.call-start
scs
__scs_entry_jumppad:
0x0: {  	(pc) =	sbr.rel $0x88, $3  }
0x1: {  	(tag) =	ssettag $0x0;
	lr =	simm.s32 $0x1  }
0x2: {  	[smem:$0x3F91] =	sst lr;
	_ =	strace $0xD0000000  }
0x3: {  	_ = 	snop  }
0x4: {  	_ = 	snop  }
0x5: {  	_ = 	snop  }
0x6: {  	_ = 	snop  }
0x7: {  	_ = 	snop  }
__scs_overlays_trampoline_lowered:
0x8: {  	[smem:$0x3FA0] =	sst s0  }
0x9: {  	[smem:$0x3FA1] =	sst s1  }
0xa: {  	[smem:$0x3FA2] =	sst s2  }
0xb: {  	[smem:$0x3FA3] =	sst s3  }
0xc: {  	[smem:$0x3FA4] =	sst s4  }
0xd: {  	[smem:$0x3FA5] =	sst s5  }
0xe: {  	[smem:$0x3FA6] =	sst s6  }
0xf: {  	[smem:$0x3FA7] =	sst s7  }
0x10: {  	[smem:$0x3FA8] =	sst s8  }
0x11: {  	[smem:$0x3FA9] =	sst s9;
	s0 =	simm.s32 @!p0 $0x0  }
0x12: {  	s1 =	sld [smem:$0x3F8F];
	s0 =	simm.s32 @p0 $0x1  }
0x13: {  	[smem:$0x3FAA] =	sst s0;
	s0 =	simm.s32 @!p1 $0x0  }
0x14: {  	s2 =	sld [smem:$0x3F8E];
	s0 =	simm.s32 @p1 $0x1  }
0x15: {  	[smem:$0x3FAB] =	sst s0;
	s0 =	simm.s32 @!p2 $0x0  }
0x16: {  	s3 =	sld [smem:$0x3FDB];
	s0 =	simm.s32 @p2 $0x1  }
0x17: {  	s4 =	simm.s32 $0x1BF5;
	[smem:$0x3FAD] =	sst s0  }
0x18: {  	s0 =	sld [smem:$0x3F90];
	_ =	swait.ge [sflag:s4], $0x0  }
0x19: {  	s7 =	sld [smem:$0x3F91]  }
0x1a: {  	s8 =	sadd.s32 $0xFFFFE003, lr  }
0x1b: {  	s9 =	sadd.s32 $0xFFFFFEF7, lr;
	s5 =	simm.s32 $0xFFFFFFFF;
	p2 =	slt.u32 s8, $0xFFFFF086  }
0x1c: {  	p1 =	slt.u32 s9, $0xF7A;
	s5 =	simm.s32 @!p2 $0x0  }
0x1d: {  	s5 =	simm.s32 @p1 $0x1;
	p0 =	seq.s32 s7, s2  }
0x1e: {  	s7 =	smul.u32 @!p0 $0xF7A, s2;
	p2 =	seq.s32 @!p0 s5, $0x0  }
0x1f: {  	s9 =	smul.u32 $0xF7A, s1;
	s8 =	simm.s32 @!p0 $0x1BF5;
	p2 =	por !p2, p0  }
0x20: {  	[sflag:s8] =	ssyncset.s32 @!p0 $0xFFFFF086;
	s6 =	sadd.s32 @!p0 s3, s7;
	s7 =	simm.s32 @!p0 $0x108  }
0x21: {  	s3 =	sadd.s32 s3, s9;
	s6 =	sadd.s32 @!p0 $0x88, s6;
	s7 =	simm.s32 @p2 $0x1082  }
0x22: {  	[simem:s7], [sflag:s8] =	dma.local @!p0 [hbm:s6], $0xF7A  }
0x23: {  	s9 =	sor.u32 $0xD0000000, s2;
	s6 =	simm.s32 $0x108;
	_ =	swait.ge @!p0 [sflag:s8], $0x0  }
0x24: {  	s3 =	sadd.s32 $0x88, s3;
	s6 =	simm.s32 @!p1 $0x1082;
	[sflag:s4] =	ssyncset.s32 $0xFFFFF086  }
0x25: {  	[simem:s6], [sflag:s4] =	dma.local [hbm:s3], $0xF7A  }
0x26: {  	[smem:$0x3F91] =	sst s1;
	(tag) =	ssettag s2;
	_ =	strace s9  }
0x27: {  	s1 =	sld [smem:$0x3FA1]  }
0x28: {  	s2 =	sld [smem:$0x3FA2]  }
0x29: {  	s4 =	sld [smem:$0x3FA4]  }
0x2a: {  	p0 =	seq.s32 s5, $0x0;
	s5 =	sld [smem:$0x3FA5]  }
0x2b: {  	s6 =	sld [smem:$0x3FA6]  }
0x2c: {  	s7 =	sld [smem:$0x3FA7]  }
0x2d: {  	s3 =	simm.s32 $0x108;
	s8 =	sld [smem:$0x3FA8]  }
0x2e: {  	s3 =	simm.s32 @!p0 $0x1082;
	s9 =	sld [smem:$0x3FA9]  }
0x2f: {  	lr =	sadd.s32 s0, s3;
	s0 =	sld [smem:$0x3FA0]  }
0x30: {  	s3 =	sld [smem:$0x3FA3]  }
0x31: {  	[smem:$0x3FAC] =	sst s10  }
0x32: {  	s10 =	sld [smem:$0x3FAA];
	_ =	sdelay $0x3  }
0x33: {  	p0 =	seq.s32 s10, $0x1;
	s10 =	sld [smem:$0x3FAC];
	_ =	sdelay $0x3  }
0x34: {  	[smem:$0x3FAC] =	sst s10  }
0x35: {  	s10 =	sld [smem:$0x3FAB];
	_ =	sdelay $0x3  }
0x36: {  	p1 =	seq.s32 s10, $0x1;
	s10 =	sld [smem:$0x3FAC];
	_ =	sdelay $0x3  }
0x37: {  	[smem:$0x3FAC] =	sst s10  }
0x38: {  	s10 =	sld [smem:$0x3FAD]  }
0x39: {  	_ = 	snop;
	(pc) =	sbr.ind lr, $3  }
0x3a: {  	_ = 	snop  }
0x3b: {  	_ = 	snop  }
0x3c: {  	p2 =	seq.s32 s10, $0x1;
	s10 =	sld [smem:$0x3FAC]  }
0x3d: {  	_ =	shalt  }
0x3e: {  	_ =	shalt  }
0x3f: {  	_ =	shalt  }
0x40: {  	_ =	shalt  }
0x41: {  	_ =	shalt  }
0x42: {  	_ =	shalt  }
0x43: {  	_ =	shalt  }
0x44: {  	_ =	shalt  }
0x45: {  	_ =	shalt  }
0x46: {  	_ =	shalt  }
0x47: {  	_ =	shalt  }
0x48: {  	_ =	shalt  }
0x49: {  	_ =	shalt  }
0x4a: {  	_ =	shalt  }
0x4b: {  	_ =	shalt  }
0x4c: {  	_ =	shalt  }
0x4d: {  	_ =	shalt  }
0x4e: {  	_ =	shalt  }
0x4f: {  	_ =	shalt  }
0x50: {  	_ =	shalt  }
0x51: {  	_ =	shalt  }
0x52: {  	_ =	shalt  }
0x53: {  	_ =	shalt  }
0x54: {  	_ =	shalt  }
0x55: {  	_ =	shalt  }
0x56: {  	_ =	shalt  }
0x57: {  	_ =	shalt  }
0x58: {  	_ =	shalt  }
0x59: {  	_ =	shalt  }
0x5a: {  	_ =	shalt  }
0x5b: {  	_ =	shalt  }
0x5c: {  	_ =	shalt  }
0x5d: {  	_ =	shalt  }
0x5e: {  	_ =	shalt  }
0x5f: {  	_ =	shalt  }
0x60: {  	_ =	shalt  }
0x61: {  	_ =	shalt  }
0x62: {  	_ =	shalt  }
0x63: {  	_ =	shalt  }
0x64: {  	_ =	shalt  }
0x65: {  	_ =	shalt  }
0x66: {  	_ =	shalt  }
0x67: {  	_ =	shalt  }
0x68: {  	_ =	shalt  }
0x69: {  	_ =	shalt  }
0x6a: {  	_ =	shalt  }
0x6b: {  	_ =	shalt  }
0x6c: {  	_ =	shalt  }
0x6d: {  	_ =	shalt  }
0x6e: {  	_ =	shalt  }
0x6f: {  	_ =	shalt  }
0x70: {  	_ =	shalt  }
0x71: {  	_ =	shalt  }
0x72: {  	_ =	shalt  }
0x73: {  	_ =	shalt  }
0x74: {  	_ =	shalt  }
0x75: {  	_ =	shalt  }
0x76: {  	_ =	shalt  }
0x77: {  	_ =	shalt  }
0x78: {  	_ =	shalt  }
0x79: {  	_ =	shalt  }
0x7a: {  	_ =	shalt  }
0x7b: {  	_ =	shalt  }
0x7c: {  	_ =	shalt  }
0x7d: {  	_ =	shalt  }
0x7e: {  	_ =	shalt  }
0x7f: {  	_ =	shalt  }
0x80: {  	_ =	shalt  }
0x81: {  	_ =	shalt  }
0x82: {  	_ =	shalt  }
0x83: {  	_ =	shalt  }
0x84: {  	_ =	shalt  }
0x85: {  	_ =	shalt  }
0x86: {  	_ =	shalt  }
0x87: {  	_ =	shalt  }
.Lfunc_end0:
.L_simem_size_0:
called_computation_lowered:
.L_overlay_start_0:
0x88: {  	s2 =	sld [smem:$0x3FD9]  }
0x89: {  	s3 =	sld [smem:$0x3FFE];
	_ =	sdelay $0x1  }
0x8a: {  	s1 =	srdreg.scid  }
0x8b: {  	s0 =	sand.u32 $0x1, s1  }
0x8c: {  	s14 =	sshll.u32 s0, $0xA;
	s2 =	sadd.s32 s3, s2  }
0x8d: {  	s2 =	sadd.s32 s2, s14  }
0x8e: {  	[smem:$0x3FB8] =	sst s2  }
0x8f: {  	_ = 	snop  }
0x90: {  	s2 =	sld [smem:$0x3FD0];
	_ =	sdelay $0x2  }
0x91: {  	s15 =	simm.s32 $0xA;
	s4 =	simm.s32 $0x10  }
0x92: {  	[smem:s4], [sflag:s15] =	dma.local [hbm:s2], $0x1  }
0x93: {  	_ =	swait.eq [sflag:s15], $0x1  }
0x94: {  	[sflag:s15] =	ssyncset.done $0x0  }
0x95: {  	[sflag:s15] =	ssyncadd.s32 $0xFFFFFFFF  }
0x96: {  	s16 =	sld [smem:$0x10];
	(tm) =	ssettm $0x1  }
0x97: {  	s17 =	sld [smem:$0x3FFB];
	_ =	sdelay $0x3  }
0x98: {  	_ =	strace s17  }
0x99: {  	s3 =	sld [smem:$0x3FFC];
	_ =	sdelay $0x3  }
0x9a: {  	_ =	strace s3  }
0x9b: {  	s3 =	sld [smem:$0x3FFD];
	_ =	sdelay $0x3  }
0x9c: {  	_ =	strace s3  }
0x9d: {  	_ =	strace $0x8FFFFFFF  }
0x9e: {  	s18 =	sld [smem:$0x3FDB];
	_ =	sdelay $0x1  }
0x9f: {  	s19 =	simm.s32 $_scs_section_size  }
0xa0: {  	s5 =	simm.s32 $_size__tile_overlayer_lowered;
	s6 =	simm.s32 $_tile_overlayer_lowered  }
0xa1: {  	s22 =	simm.s32 $0x1BFF;
	s21 =	sshll.u32 s6, $0x1;
	s3 =	sadd.s32 s19, s18  }
0xa2: {  	s7 =	simm.s32 $0x0;
	s20 =	sshll.u32 s5, $0x1;
	s5 =	sadd.s32 s21, s3  }
0xa3: {  	[timem:s7], [sflag:s22] =	dma.local [hbm:s5], s20  }
0xa4: {  	_ =	swait.ge [sflag:s22], s20  }
0xa5: {  	s4 =	ssub.s32 $0x0, s20;
	[sflag:s22] =	ssyncset.done $0x0  }
0xa6: {  	[sflag:s22] =	ssyncadd.s32 s4;
	_ =	sdelay $0x1  }
0xa7: {  	s23 =	simm.s32 $0x1B8B  }
0xa8: {  	_ =	swait.ge [sflag:s23], $0x1  }
0xa9: {  	[sflag:s23] =	ssyncset.done $0x0  }
0xaa: {  	s25 =	simm.s32 $0x1B8E;
	s24 =	sld [smem:$0x3FFE];
	[sflag:s23] =	ssyncadd.s32 $0xFFFFFFFF  }
0xab: {  	s26 =	simm.s32 $execute0_lowered;
	[smem:$0x3FD2] =	sst s25  }
0xac: {  	s5 =	sshll.u32 s26, $0x1;
	_ =	strace $0x80000046;
	[dreg:$0x1] =	wrdreg $0xFFFFFFFF  }
0xad: {  	s28 =	simm.s32 $_size_execute0_lowered;
	s3 =	sadd.s32 s3, s5;
	[dreg:$0x0] =	wrdreg $0x0  }
0xae: {  	s5 =	sshll.u32 s28, $0x1;
	[dreg:$0x2] =	wrdreg s3  }
0xaf: {  	[dreg:$0x3] =	wrdreg s5  }
0xb0: {  	[dreg:$0x4] =	wrdreg $0xC0  }
0xb1: {  	_ =	task [dreg:s7], $0x5FFFF  }
0xb2: {  	[dreg:$0x1] =	wrdreg $0xFFFFFFFF  }
0xb3: {  	[dreg:$0x0] =	wrdreg $0x60  }
0xb4: {  	[dreg:$0x2] =	wrdreg s16  }
0xb5: {  	[dreg:$0x3] =	wrdreg s24  }
0xb6: {  	[dreg:$0x4] =	wrdreg $0x122000  }
0xb7: {  	[dreg:$0x5] =	wrdreg $0x9  }
0xb8: {  	_ =	task.clear_ibuf [dreg:s7], $0x6FFFF;
	_ =	strace $0x90000046  }
0xb9: {  	s29 =	simm.s32 $0x9;
	_ =	strace $0x80000048  }
0xba: {  	_ =	swait.ge [sflag:s29], $0x1  }
0xbb: {  	[sflag:s29] =	ssyncadd.s32 $0xFFFFFFFF  }
0xbc: {  	_ =	strace $0x90000048  }
0xbd: {  	_ =	sfence  }
0xbe: {  	s30 =	sld [smem:$0x0];
	_ =	sdelay $0x2  }
0xbf: {  	s31 =	sshll.u32 s1, $0xD;
	s1 =	sshrl.u32 s1, $0x2  }
0xc0: {  	s3 =	sand.u32 $0x4000, s31;
	s1 =	sadd.s32 s1, s30  }
0xc1: {  	s0 =	sor.u32 s3, s0;
	s1 =	sshll.u32 s1, $0x11  }
0xc2: {  	s0 =	sor.u32 s1, s0  }
0xc3: {  	s0 =	sadd.s32 $0x8F2B, s0  }
0xc4: {  	[sflag:s0] =	ssyncadd.remote.s32 $0x1  }
0xc5: {  	_ =	sfence.sel $0xFFFF  }
0xc6: {  	[dreg:$0x0] =	wrdreg $0xFFFFFFFF;
	(pc) =	sbr.abs _section_cstart, $3  }
0xc7: {  	[dreg:$0x1] =	wrdreg $0xFFFFFFFF  }
0xc8: {  	_ =	task.clear_ibuf [dreg:s7], $0x2FFFF;
	_ =	strace $0x9FFFFFFF  }
0xc9: {  	(tm) =	ssettm $0x7FFFFFFF  }
tec
execute0_lowered:
.L_overlay_start_1:
0x0: {  	(tag) =	ssettag $0x1  }
0x1: {  	s2 =	rddreg [dreg:$0x0]  }
0x2: {  	s0 =	rddreg [dreg:$0x1]  }
0x3: {  	s3 =	rddreg [dreg:$0x2];
	s14 =	stileid.u32;
	s4 =	simm.s32 $0x0  }
0x4: {  	s7 =	srdreg.scid;
	s18 =	simm.s32 $0x3;
	s19 =	simm.s32 $0x100  }
0x5: {  	s20 =	simm.s32 $0x80;
	s21 =	simm.s32 $0x200;
	s22 =	simm.s32 $0x1  }
0x6: {  	s23 =	simm.s32 $0x8200;
	s24 =	simm.s32 $0x10200;
	s25 =	simm.s32 $0x11200  }
0x7: {  	s28 =	simm.s32 $0x180;
	s29 =	simm.s32 $0xC200;
	s30 =	simm.s32 $0x10A00  }
0x8: {  	s31 =	simm.s32 $0x11A00;
	s1 =	smul.u32 $0x2780, s14;
	[smem:$0x7FF] =	sst s4  }
0x9: {  	s5 =	sadd.s32 $0x44000, s0;
	s8 =	sadd.s32 $0x4200, s0;
	s9 =	sadd.s32 $0x107600, s0  }
0xa: {  	s10 =	sadd.s32 $0x6B200, s0;
	p0 =	seq.s32 s14, $0xF;
	s6 =	sshrl.u32 s1, $0x3  }
0xb: {  	_ =	strace $0x80000047;
	s1 =	sadd.s32 s1, s3;
	s12 =	sadd.s32 s6, s0  }
0xc: {  	s6 =	sand.u32 $0x1, s7;
	s7 =	sadd.s32 $0xE000, s0;
	s0 =	sadd.s32 $0x43A10, s0  }
0xd: {  	s11 =	ssub.s32 $0x2, s6;
	s12 =	sadd.s32 $0x3F000, s12;
	[dreg:$0x5] =	wrdreg s0  }
0xe: {  	s0 =	sshll.u32 @!p0 s14, $0x6;
	s13 =	sshrl.u32 s11, $0x1;
	[dreg:$0x4] =	wrdreg s12  }
.Ltmp0:
0xf: {  	s12 =	sadd.s32 $0x25080, s3;
	s0 =	sor.u32 @!p0 $0x1C02, s0;
	(pc) =	sbr.rel .LBB2_1-.Ltmp0, $4  }
0x10: {  	s13 =	ssub.s32 s11, s13;
	s12 =	sshrl.u32 @p0 s12, $0x3;
	[dreg:$0x8] =	wrdreg s0  }
0x11: {  	s11 =	sshll.u32 s14, $0x1;
	s0 =	sshrl.u32 @!p0 s1, $0x3;
	[dreg:$0x7] =	wrdreg s12  }
0x12: {  	s1 =	simm.s32 $0x0;
	s26 =	smax.u32 s13, $0x1;
	[dreg:$0x9] =	wrdreg s0  }
0x13: {  	s0 =	simm.s32 $0x2;
	[dreg:$0x6] =	wrdreg s26;
	s26 =	simm.s32 $0x4200  }
.LBB2_7:
0x14: {  	s1 =	sadd.s32 $0x1, s1;
	s12 =	rddreg [dreg:$0x6]  }
0x15: {  	p1 =	sne.s32 s1, s12  }
.Ltmp1:
0x16: {  	_ = 	snop;
	(pc) =	sbr.rel @!p1 .LBB2_8-.Ltmp1, $1  }
0x17: {  	_ =	sdelay $0x3  }
.LBB2_1:
0x18: {  	s13 =	rddreg [dreg:$0x5]  }
0x19: {  	s12 =	simm.s32 @p0 $0x1FC2;
	s14 =	rddreg [dreg:$0x7]  }
0x1a: {  	[spmem:s14], [sflag:s12] =	dma.local @p0 [hbm:s13], $0x410  }
0x1b: {  	s12 =	simm.s32 @p0 $0x2  }
0x1c: {  	_ =	swait.ge @p0 [sflag:s12], $0x410  }
0x1d: {  	s13 =	rddreg [dreg:$0x8]  }
0x1e: {  	[sflag:s12] =	ssyncset.done @p0 $0x0;
	s14 =	rddreg [dreg:$0x9]  }
0x1f: {  	[sflag:s12] =	ssyncadd.s32 @p0 $0xFFFFFBF0;
	s12 =	rddreg [dreg:$0x4]  }
0x20: {  	[spmem:s14], [sflag:s13] =	dma.local @!p0 [hbm:s12], $0x4F0  }
0x21: {  	s12 =	simm.s32 @!p0 $0x2  }
.Ltmp2:
0x22: {  	_ =	swait.ge @!p0 [sflag:s12], $0x4F0;
	(pc) =	sbr.rel .LBB2_2-.Ltmp2, $4  }
0x23: {  	[sflag:s12] =	ssyncset.done @!p0 $0x0  }
0x24: {  	[sflag:s12] =	ssyncadd.s32 @!p0 $0xFFFFFB10  }
0x25: {  	[bflag:$0x0] =	sbarrier.arrive $0xFFFF  }
0x26: {  	s12 =	simm.s32 $0x0  }
.LBB2_6:
0x27: {  	s12 =	sadd.s32 $0x1, s12  }
0x28: {  	p1 =	sne.s32 s12, $0x28  }
.Ltmp3:
0x29: {  	_ = 	snop;
	(pc) =	sbr.rel @!p1 .LBB2_7-.Ltmp3, $1  }
0x2a: {  	_ =	sdelay $0x3  }
.LBB2_2:
0x2b: {  	s13 =	sshll.u32 s12, $0x5  }
0x2c: {  	s13 =	sor.u32 s11, s13  }
0x2d: {  	p1 =	sgt.u32 s13, $0x4E1  }
.Ltmp4:
0x2e: {  	_ = 	snop;
	(pc) =	sbr.rel @p1 .LBB2_6-.Ltmp4, $1  }
0x2f: {  	_ =	sdelay $0x3  }
0x30: {  	s13 =	sor.u32 s6, s13  }
0x31: {  	s14 =	sshll.u32 s13, $0x5  }
0x32: {  	s16 =	simm.s32 $0x0;
	s15 =	sadd.s32 s7, s14  }
0x33: {  	[tilespmem:s16], [sflag:$0x3] =	stream.linear.gather [hbm4b:s15+s16], $0x100, $0x38;
	[tilespmem:$0x14910] =	vst v63  }
0x34: {  	_ =	swait.ge [sflag:s18], $0x100  }
0x35: {  	[sflag:s18] =	ssyncset.done $0x0  }
0x36: {  	s14 =	sadd.s32 s8, s14;
	[sflag:s18] =	ssyncadd.s32 $0xFFFFFF00  }
0x37: {  	[tilespmem:s19], [sflag:$0x3] =	stream.linear.gather [hbm4b:s14+s16], $0x100, $0x38;
	[tilespmem:$0x14910] =	vst v63  }
0x38: {  	_ =	swait.ge [sflag:s18], $0x100  }
0x39: {  	[sflag:s18] =	ssyncset.done $0x0  }
0x3a: {  	[sflag:s18] =	ssyncadd.s32 $0xFFFFFF00  }
0x3b: {  	[tilespmem:s21], [sflag:$0x1] =	stream.indirect.gather [hbm4b:s2+s20], $0x80, s16, s20, $0xb8;
	[tilespmem:$0x14910] =	vst v63  }
0x3c: {  	_ =	swait.ge [sflag:s22], $0x4000  }
0x3d: {  	[sflag:s22] =	ssyncset.done $0x0  }
0x3e: {  	[sflag:s22] =	ssyncadd.s32 $0xFFFFC000  }
0x3f: {  	[tilespmem:s23], [sflag:$0x1] =	stream.indirect.gather [hbm4b:s5+s20], $0x80, s19, s20, $0xb8;
	[tilespmem:$0x14910] =	vst v63  }
0x40: {  	_ =	swait.ge [sflag:s22], $0x4000  }
0x41: {  	[sflag:s22] =	ssyncset.done $0x0  }
0x42: {  	[sflag:s22] =	ssyncadd.s32 $0xFFFFC000  }
0x43: {  	[tilespmem:s24], [sflag:$0x1] =	stream.indirect.gather [spmem:s3], $0x10, s16, s20, $0xb8;
	[tilespmem:$0x14910] =	vst v63  }
0x44: {  	_ =	swait.ge [sflag:s22], $0x800  }
0x45: {  	[sflag:s22] =	ssyncset.done $0x0  }
0x46: {  	[sflag:s22] =	ssyncadd.s32 $0xFFFFF800  }
0x47: {  	[tilespmem:s25], [sflag:$0x1] =	stream.indirect.gather [spmem:s3], $0x10, s19, s20, $0xb8;
	[tilespmem:$0x14910] =	vst v63  }
0x48: {  	_ =	swait.ge [sflag:s22], $0x800  }
0x49: {  	[sflag:s22] =	ssyncset.done $0x0  }
0x4a: {  	[sflag:s22] =	ssyncadd.s32 $0xFFFFF800  }
0x4b: {  	[tilespmem:s26], [sflag:$0x1] =	stream.indirect.gather [hbm4b:s2+s20], $0x80, s20, s20, $0xb8;
	[tilespmem:$0x14910] =	vst v63  }
0x4c: {  	_ =	swait.ge [sflag:s22], $0x4000  }
0x4d: {  	[sflag:s22] =	ssyncset.done $0x0  }
0x4e: {  	[sflag:s22] =	ssyncadd.s32 $0xFFFFC000  }
0x4f: {  	[tilespmem:s29], [sflag:$0x1] =	stream.indirect.gather [hbm4b:s5+s20], $0x80, s28, s20, $0xb8;
	[tilespmem:$0x14910] =	vst v63  }
0x50: {  	_ =	swait.ge [sflag:s22], $0x4000  }
0x51: {  	[sflag:s22] =	ssyncset.done $0x0  }
0x52: {  	[sflag:s22] =	ssyncadd.s32 $0xFFFFC000  }
0x53: {  	[tilespmem:s30], [sflag:$0x1] =	stream.indirect.gather [spmem:s3], $0x10, s20, s20, $0xb8;
	[tilespmem:$0x14910] =	vst v63  }
0x54: {  	_ =	swait.ge [sflag:s22], $0x800  }
0x55: {  	[sflag:s22] =	ssyncset.done $0x0  }
0x56: {  	[sflag:s22] =	ssyncadd.s32 $0xFFFFF800  }
0x57: {  	[tilespmem:s31], [sflag:$0x1] =	stream.indirect.gather [spmem:s3], $0x10, s28, s20, $0xb8;
	[tilespmem:$0x14910] =	vst v63  }
0x58: {  	_ =	swait.ge [sflag:s22], $0x800  }
0x59: {  	[sflag:s22] =	ssyncset.done $0x0  }
0x5a: {  	s14 =	simm.s32 $0x240;
	[sflag:s22] =	ssyncadd.s32 $0xFFFFF800  }
0x5b: {  	s15 =	simm.s32 $0x8240;
	v0 =	vld [tilespmem:s14+$0xFFFFFFC0]  }
0x5c: {  	v1 =	vld [tilespmem:s15+$0xFFFFFFC0];
	_ =	sdelay $0x4  }
0x5d: {  	v0 =	vadd.f32 v1, v0;
	_ =	sdelay $0x1  }
0x5e: {  	[tilespmem:s14+$0xFFFFFFC0] =	vst v0;
	v0 =	vld [tilespmem:s14+$0xFFFFFFD0]  }
0x5f: {  	v1 =	vld [tilespmem:s15+$0xFFFFFFD0];
	_ =	sdelay $0x4  }
0x60: {  	v0 =	vadd.f32 v1, v0;
	_ =	sdelay $0x1  }
0x61: {  	[tilespmem:s14+$0xFFFFFFD0] =	vst v0;
	v0 =	vld [tilespmem:s14+$0xFFFFFFE0]  }
0x62: {  	v1 =	vld [tilespmem:s15+$0xFFFFFFE0];
	_ =	sdelay $0x4  }
0x63: {  	v0 =	vadd.f32 v1, v0;
	_ =	sdelay $0x1  }
0x64: {  	[tilespmem:s14+$0xFFFFFFE0] =	vst v0;
	v0 =	vld [tilespmem:s14+$0xFFFFFFF0]  }
0x65: {  	v1 =	vld [tilespmem:s15+$0xFFFFFFF0];
	_ =	sdelay $0x4  }
0x66: {  	v0 =	vadd.f32 v1, v0;
	_ =	sdelay $0x1  }
0x67: {  	[tilespmem:s14+$0xFFFFFFF0] =	vst v0;
	v0 =	vld [tilespmem:s14+$0x0]  }
0x68: {  	v1 =	vld [tilespmem:s15+$0x0];
	_ =	sdelay $0x4  }
0x69: {  	v0 =	vadd.f32 v1, v0;
	_ =	sdelay $0x1  }
0x6a: {  	[tilespmem:s14+$0x0] =	vst v0;
	v0 =	vld [tilespmem:s14+$0x10]  }
0x6b: {  	v1 =	vld [tilespmem:s15+$0x10];
	_ =	sdelay $0x4  }
0x6c: {  	v0 =	vadd.f32 v1, v0;
	_ =	sdelay $0x1  }
0x6d: {  	[tilespmem:s14+$0x10] =	vst v0;
	v0 =	vld [tilespmem:s14+$0x20]  }
0x6e: {  	v1 =	vld [tilespmem:s15+$0x20];
	_ =	sdelay $0x4  }
0x6f: {  	v0 =	vadd.f32 v1, v0;
	_ =	sdelay $0x1  }
0x70: {  	[tilespmem:s14+$0x20] =	vst v0;
	v0 =	vld [tilespmem:s14+$0x30]  }
0x71: {  	v1 =	vld [tilespmem:s15+$0x30];
	_ =	sdelay $0x4  }
0x72: {  	v0 =	vadd.f32 v1, v0;
	_ =	sdelay $0x1  }
0x73: {  	s17 =	simm.s32 $0x0;
	[tilespmem:s14+$0x30] =	vst v0  }
0x74: {  	v0 =	vld [tilespmem:s17+$0x11200]  }
0x75: {  	v1 =	vld [tilespmem:s17+$0x10200];
	_ =	sdelay $0x4  }
0x76: {  	s16 =	simm.s32 $0x40;
	v0 =	vsub.f32 v1, v0  }
.LBB2_4:
0x77: {  	p1 =	sne.s32 s16, $0x3FC0;
	s14 =	sadd.s32 $0x80, s14;
	s15 =	sadd.s32 $0x80, s15  }
0x78: {  	[tilespmem:s17+$0x10200] =	vst v0;
	s17 =	smov.u32 s16;
	s16 =	sadd.s32 $0x40, s16  }
0x79: {  	v0 =	vld [tilespmem:s14+$0xFFFFFFC0]  }
0x7a: {  	v1 =	vld [tilespmem:s15+$0xFFFFFFC0];
	_ =	sdelay $0x4  }
0x7b: {  	v0 =	vadd.f32 v1, v0;
	_ =	sdelay $0x1  }
0x7c: {  	[tilespmem:s14+$0xFFFFFFC0] =	vst v0;
	v0 =	vld [tilespmem:s14+$0xFFFFFFD0]  }
0x7d: {  	v1 =	vld [tilespmem:s15+$0xFFFFFFD0];
	_ =	sdelay $0x4  }
0x7e: {  	v0 =	vadd.f32 v1, v0;
	_ =	sdelay $0x1  }
0x7f: {  	[tilespmem:s14+$0xFFFFFFD0] =	vst v0;
	v0 =	vld [tilespmem:s14+$0xFFFFFFE0]  }
0x80: {  	v1 =	vld [tilespmem:s15+$0xFFFFFFE0];
	_ =	sdelay $0x4  }
0x81: {  	v0 =	vadd.f32 v1, v0;
	_ =	sdelay $0x1  }
0x82: {  	[tilespmem:s14+$0xFFFFFFE0] =	vst v0;
	v0 =	vld [tilespmem:s14+$0xFFFFFFF0]  }
0x83: {  	v1 =	vld [tilespmem:s15+$0xFFFFFFF0];
	_ =	sdelay $0x4  }
0x84: {  	v0 =	vadd.f32 v1, v0;
	_ =	sdelay $0x1  }
0x85: {  	[tilespmem:s14+$0xFFFFFFF0] =	vst v0;
	v0 =	vld [tilespmem:s14+$0x0]  }
0x86: {  	v1 =	vld [tilespmem:s15+$0x0];
	_ =	sdelay $0x4  }
0x87: {  	v0 =	vadd.f32 v1, v0;
	_ =	sdelay $0x1  }
0x88: {  	[tilespmem:s14+$0x0] =	vst v0;
	v0 =	vld [tilespmem:s14+$0x10]  }
0x89: {  	v1 =	vld [tilespmem:s15+$0x10];
	_ =	sdelay $0x4  }
0x8a: {  	v0 =	vadd.f32 v1, v0;
	_ =	sdelay $0x1  }
0x8b: {  	[tilespmem:s14+$0x10] =	vst v0;
	v0 =	vld [tilespmem:s14+$0x20]  }
0x8c: {  	v1 =	vld [tilespmem:s15+$0x20];
	_ =	sdelay $0x4  }
0x8d: {  	v0 =	vadd.f32 v1, v0;
	_ =	sdelay $0x1  }
0x8e: {  	[tilespmem:s14+$0x20] =	vst v0;
	v0 =	vld [tilespmem:s14+$0x30]  }
0x8f: {  	v1 =	vld [tilespmem:s15+$0x30];
	_ =	sdelay $0x4  }
0x90: {  	v0 =	vadd.f32 v1, v0;
	_ =	sdelay $0x1  }
0x91: {  	s17 =	sshra.s32 s17, $0x2;
	[tilespmem:s14+$0x30] =	vst v0  }
0x92: {  	v0 =	vld [tilespmem:s17+$0x11200]  }
0x93: {  	v1 =	vld [tilespmem:s17+$0x10200]  }
.Ltmp5:
0x94: {  	(pc) =	sbr.rel @p1 .LBB2_4-.Ltmp5, $2  }
0x95: {  	_ =	sdelay $0x2  }
0x96: {  	v0 =	vsub.f32 v1, v0  }
0x97: {  	s14 =	sshll.u32 s13, $0xC  }
0x98: {  	[tilespmem:s17+$0x10200] =	vst v0;
	s14 =	sadd.s32 s9, s14  }
0x99: {  	[hbm4b:s14+s4] =	stream.linear.scatter [tilespmem:s21], [sflag:$0x3], $0x8000, $0x38;
	[tilespmem:$0x14910] =	vst v63  }
0x9a: {  	_ =	swait.ge [sflag:s18], $0x8000  }
0x9b: {  	s17 =	sshll.u32 s13, $0x9;
	[sflag:s18] =	ssyncset.done $0x0  }
.Ltmp6:
0x9c: {  	s13 =	sadd.s32 s10, s17;
	[sflag:s18] =	ssyncadd.s32 $0xFFFF8000;
	(pc) =	sbr.rel .LBB2_6-.Ltmp6, $4  }
0x9d: {  	[hbm4b:s13+s4] =	stream.linear.scatter [tilespmem:s24], [sflag:$0x2], $0x1000, $0x38;
	[tilespmem:$0x14910] =	vst v63  }
0x9e: {  	_ =	swait.ge [sflag:s0], $0x1000  }
0x9f: {  	[sflag:s0] =	ssyncset.done $0x0  }
0xa0: {  	[sflag:s0] =	ssyncadd.s32 $0xFFFFF000  }
.LBB2_8:
0xa1: {  	_ =	sfence.sel $0x180000  }
0xa2: {  	[bflag:$0x0] =	sbarrier.arrive $0xFFFF  }
0xa3: {  	_ =	strace $0x90000047  }
0xa4: {  	s0 =	stileid.u32;
	[bflag:$0x2] =	sbarrier.arrive $0xFFFF  }
0xa5: {  	p0 =	sne.s32 s0, $0x0;
	s0 =	rddreg [dreg:$0x3]  }
0xa6: {  	s0 =	sadd.s32 @!p0 $0x100000, s0  }
0xa7: {  	[sflag:s0] =	ssyncadd.tile.s32 @!p0 $0x1;
	_ =	shalt  }
.Lfunc_end2:
_tile_overlayer_lowered:
.L_overlay_start_2:
0xa8: {  	(tag) =	ssettag $0x2  }
0xa9: {  	s0 =	rddreg [dreg:$0x0];
	s2 =	stileid.u32  }
0xaa: {  	s1 =	rddreg [dreg:$0x1];
	p0 =	sne.s32 s2, $0x0  }
0xab: {  	s3 =	rddreg [dreg:$0x2];
	[bflag:$0x3] =	sbarrier.arrive $0xFFFF;
	s2 =	simm.s32 @!p0 $0x1C02  }
0xac: {  	[timem:s3], [sflag:s2] =	dma.local @!p0 [hbm:s0], s1  }
0xad: {  	s0 =	simm.s32 @!p0 $0x2  }
0xae: {  	_ =	swait.ge @!p0 [sflag:s0], s1  }
0xaf: {  	s1 =	ssub.s32 @!p0 $0x0, s1;
	[sflag:s0] =	ssyncset.done @!p0 $0x0  }
0xb0: {  	[sflag:s0] =	ssyncadd.s32 @!p0 s1  }
0xb1: {  	[bflag:$0x3] =	sbarrier.arrive $0xFFFF  }
0xb2: {  	_ =	shalt  }

</sc_bundles>
